<compile_context>
chip_gen: v7x
topology: tpu7x:2x2x1
jax: 0.10.2.dev20260603
libtpu: 0.0.44.dev20260713+nightly
codegen_flags: <defaults>
</compile_context>

<pallas_src>
import dataclasses
import functools

import jax
import jax.numpy as jnp
from jax import lax
from jax.experimental import pallas as pl
from jax.experimental.pallas import tpu as pltpu
from jax.experimental.pallas import tpu_sc as plsc

_N, _J, _K = 4096, 1024, 16
_R = 256
_LANES = 16
_TC_ROWS = 2560


def _onehot_tc_kernel(x_ref, o_ref):
    xv = x_ref[...]
    idx = jnp.floor(jnp.clip(xv, 0.0, 15.5)).astype(jnp.int32)
    ks = lax.broadcasted_iota(jnp.int32, (_R, _K, _J), 1)
    o_ref[...] = (idx[:, None, :] == ks).astype(jnp.float32)


def _onehot_tc(x, rows, interpret):
    return pl.pallas_call(
        _onehot_tc_kernel,
        grid=(rows // _R,),
        in_specs=[pl.BlockSpec((_R, _J), lambda g: (g, 0))],
        out_specs=pl.BlockSpec((_R, _K, _J), lambda g: (g, 0, 0)),
        out_shape=jax.ShapeDtypeStruct((rows, _K, _J), jnp.float32),
        compiler_params=pltpu.CompilerParams(
            dimension_semantics=("arbitrary",),
        ),
        interpret=interpret,
    )(x)


def _onehot_sc(x, row_start):
    rows = x.shape[0] - row_start
    mesh = plsc.VectorSubcoreMesh(core_axis_name="core",
                                  subcore_axis_name="subcore")
    cp = pltpu.CompilerParams()
    if "needs_layout_passes" in pltpu.CompilerParams.__dataclass_fields__:
        cp = dataclasses.replace(cp, needs_layout_passes=False)

    @pl.kernel(out_type=jax.ShapeDtypeStruct((rows, _K, _J), jnp.float32),
               mesh=mesh, scratch_types=[], compiler_params=cp)
    def sc_kernel(x_hbm, o_hbm):
        def body(x_vmem, o_vmem):
            @pl.loop(0, _J, step=_LANES)
            def _(c):
                xv = x_vmem.at[0, pl.ds(c, _LANES)][...]
                idx = jnp.clip(xv, 0.0, 15.5).astype(jnp.int32)
                for k in range(_K):
                    o_vmem.at[0, k, pl.ds(c, _LANES)][...] = (
                        idx == k).astype(jnp.float32)

        pltpu.emit_pipeline(
            body,
            grid=(rows,),
            in_specs=[pl.BlockSpec((1, _J),
                                   index_map=lambda i: (i + row_start, 0))],
            out_specs=[pl.BlockSpec((1, _K, _J),
                                    index_map=lambda i: (i, 0, 0))],
            core_axis_name=("core", "subcore"),
            dimension_semantics=(pltpu.PARALLEL,),
        )(x_hbm, o_hbm)

    return sc_kernel(x)


@functools.partial(jax.jit, static_argnames=("interpret",))
def kernel(x, interpret=False):
    if interpret:
        return jnp.transpose(_onehot_tc(x, _N, interpret), (0, 2, 1))
    tc_part = _onehot_tc(x, _TC_ROWS, False)
    sc_part = _onehot_sc(x, _TC_ROWS)
    out = jnp.concatenate([tc_part, sc_part], axis=0)
    return jnp.transpose(out, (0, 2, 1))

# --- scband reference (transcript-rebuilt; emitter-appended) ---
"""Pipeline reference for scband-one-hot-encoding-20298015441384 (READ-ONLY COPY).

The authoritative reference and input builder live on the scoring server;
editing this copy changes nothing except your own understanding.
"""

import jax, jax.numpy as jnp
import numpy as np

BIN_MIN = 0.0
BIN_MAX_RAW = 15.0
NUM_CLASSES = 16
BIN_SIZE = int((BIN_MAX_RAW - BIN_MIN) / (NUM_CLASSES - 1))  # = 1
BIN_MAX = BIN_MAX_RAW + BIN_SIZE / 2  # = 15.5


def setup_inputs(seed: int = 0) -> dict:
    key = jax.random.key(seed)
    x = jax.random.uniform(key, (4096, 1024), dtype=jnp.float32)
    return {"x": x}


def reference(x) -> jnp.ndarray:
    # x.clip(bin_min, bin_max)
    xc = jnp.clip(x, BIN_MIN, BIN_MAX)
    # torch.div(x - bin_min, bin_size, rounding_mode='floor').long()
    idx = jnp.floor((xc - BIN_MIN) / BIN_SIZE).astype(jnp.int32)
    # F.one_hot(idx, num_classes).float()
    out = jax.nn.one_hot(idx, NUM_CLASSES, dtype=jnp.float32)
    return out

if __name__ == "__main__":
    import jax
    _d = setup_inputs()
    print(jax.jit(kernel)(*tuple(_d.values())))

</pallas_src>

<mosaic_0001>
#map = affine_map<(d0, d1) -> (0, 0)>
#map1 = affine_map<(d0, d1) -> (0, 0, 0)>
module attributes {stable_mosaic.version = 14 : i64} {
  func.func @sc_kernel(%arg0: i32, %arg1: i32, %arg2: memref<4096x1024xf32, #tpu.memory_space<hbm>>, %arg3: memref<1536x16x1024xf32, #tpu.memory_space<hbm>>) attributes {dimension_semantics = [#tpu.dimension_semantics<core_parallel>, #tpu.dimension_semantics<subcore_parallel>], iteration_bounds = array<i64: 2, 16>, scalar_prefetch = 0 : i64, scratch_operands = 0 : i64, tpu.core_type = #tpu.core_type<sc_vector_subcore>, window_params = [{transform_indices = #map}, {transform_indices = #map1}]} {
    %mul3A = arith.constant 1 : i32
    %mul3A_0 = arith.muli %arg1, %mul3A : i32
    %add3A = arith.constant 0 : i32
    %add3A_1 = arith.addi %add3A, %mul3A_0 : i32
    %mul3A_2 = arith.constant 16 : i32
    %mul3A_3 = arith.muli %arg0, %mul3A_2 : i32
    %add3A_4 = arith.addi %add3A_1, %mul3A_3 : i32
    %mul3A_5 = arith.constant 48 : i32
    %mul3A_6 = arith.muli %add3A_4, %mul3A_5 : i32
    "tpu.region"() ({
      %run_scoped3A = memref.alloca() : memref<2x1x1024xf32, #tpu.memory_space<vmem>>
      %run_scoped3A_7 = tpu.sem_alloc : memref<2x!tpu.dma_semaphore, #tpu.memory_space<semaphore_mem>>
      %run_scoped3A_8 = memref.alloca() : memref<2x1x16x1024xf32, #tpu.memory_space<vmem>>
      %run_scoped3A_9 = tpu.sem_alloc : memref<2x!tpu.dma_semaphore, #tpu.memory_space<semaphore_mem>>
      %add3A_10 = arith.constant 0 : i32
      %add3A_11 = arith.addi %add3A_10, %mul3A_6 : i32
      %select_n3A = arith.constant true
      %select_n3A_12 = arith.constant 0 : i32
      %select_n3A_13 = arith.constant -1 : i32
      %select_n3A_14 = arith.select %select_n3A, %select_n3A_13, %select_n3A_12 : i32
      %eq3A = arith.constant -1 : i32
      %eq3A_15 = arith.cmpi eq, %select_n3A_14, %eq3A : i32
      %select_n3A_16 = arith.constant 47 : i32
      %select_n3A_17 = arith.select %eq3A_15, %select_n3A_16, %select_n3A_14 : i32
      %add3A_18 = arith.addi %select_n3A_17, %mul3A_6 : i32
      %select_n3A_19 = arith.constant true
      %select_n3A_20 = arith.constant 0 : i32
      %select_n3A_21 = arith.constant 1 : i32
      %select_n3A_22 = arith.select %select_n3A_19, %select_n3A_21, %select_n3A_20 : i32
      %eq3A_23 = arith.constant 48 : i32
      %eq3A_24 = arith.cmpi eq, %select_n3A_22, %eq3A_23 : i32
      %select_n3A_25 = arith.constant 0 : i32
      %select_n3A_26 = arith.select %eq3A_24, %select_n3A_25, %select_n3A_22 : i32
      %add3A_27 = arith.addi %select_n3A_26, %mul3A_6 : i32
      %add3A_28 = arith.constant 1 : i32
      %add3A_29 = arith.addi %select_n3A_26, %add3A_28 : i32
      %select_n3A_30 = arith.constant true
      %select_n3A_31 = arith.select %select_n3A_30, %add3A_29, %select_n3A_26 : i32
      %eq3A_32 = arith.constant 48 : i32
      %eq3A_33 = arith.cmpi eq, %select_n3A_31, %eq3A_32 : i32
      %select_n3A_34 = arith.constant 0 : i32
      %select_n3A_35 = arith.select %eq3A_33, %select_n3A_34, %select_n3A_31 : i32
      %add3A_36 = arith.addi %select_n3A_35, %mul3A_6 : i32
      "tpu.trace_start"() <{level = 10 : i32, message = "ep_initialize_0"}> : () -> ()
      %rem3A = arith.constant 0 : i32
      %rem3A_37 = arith.constant 2 : i32
      %rem3A_38 = arith.remui %rem3A, %rem3A_37 : i32
      %add3A_39 = arith.constant 2560 : i32
      %add3A_40 = arith.addi %add3A_11, %add3A_39 : i32
      %mul3A_41 = arith.constant 1 : i32
      %mul3A_42 = arith.muli %mul3A_41, %add3A_40 : i32
      %dma_start3A = arith.constant 0 : i32
      %dma_start3A_43 = arith.constant 0 : i32
      %dma_start3A_44 = tpu.memref_slice %run_scoped3A[%rem3A_38, %dma_start3A, %dma_start3A_43] : memref<2x1x1024xf32, #tpu.memory_space<vmem>> -> memref<1x1x1024xf32, #tpu.memory_space<vmem>>
      %dma_start3A_45 = tpu.memref_squeeze %dma_start3A_44 : memref<1x1x1024xf32, #tpu.memory_space<vmem>> -> memref<1x1024xf32, #tpu.memory_space<vmem>>
      %dma_start3A_46 = arith.constant 0 : i32
      %dma_start3A_47 = tpu.memref_slice %arg2[%mul3A_42, %dma_start3A_46] : memref<4096x1024xf32, #tpu.memory_space<hbm>> -> memref<1x1024xf32, #tpu.memory_space<hbm>>
      %dma_start3A_48 = tpu.memref_slice %run_scoped3A_7[%rem3A_38] : memref<2x!tpu.dma_semaphore, #tpu.memory_space<semaphore_mem>> -> memref<1x!tpu.dma_semaphore, #tpu.memory_space<semaphore_mem>>
      %dma_start3A_49 = tpu.memref_squeeze %dma_start3A_48 : memref<1x!tpu.dma_semaphore, #tpu.memory_space<semaphore_mem>> -> memref<!tpu.dma_semaphore, #tpu.memory_space<semaphore_mem>>
      %dma_start3A_50 = arith.constant 0 : i32
      %dma_start3A_51 = arith.constant 0 : i32
      %dma_start3A_52 = tpu.memref_slice %run_scoped3A[%rem3A_38, %dma_start3A_50, %dma_start3A_51] : memref<2x1x1024xf32, #tpu.memory_space<vmem>> -> memref<1x1x1024xf32, #tpu.memory_space<vmem>>
      %dma_start3A_53 = tpu.memref_squeeze %dma_start3A_52 : memref<1x1x1024xf32, #tpu.memory_space<vmem>> -> memref<1x1024xf32, #tpu.memory_space<vmem>>
      %dma_start3A_54 = arith.constant 0 : i32
      %dma_start3A_55 = tpu.memref_slice %arg2[%mul3A_42, %dma_start3A_54] : memref<4096x1024xf32, #tpu.memory_space<hbm>> -> memref<1x1024xf32, #tpu.memory_space<hbm>>
      tpu.enqueue_dma source(%dma_start3A_55 : memref<1x1024xf32, #tpu.memory_space<hbm>>) target(%dma_start3A_53 : memref<1x1024xf32, #tpu.memory_space<vmem>>) target_semaphore(%dma_start3A_49 : memref<!tpu.dma_semaphore, #tpu.memory_space<semaphore_mem>>)
      %add3A_56 = arith.constant 0 : i32
      %add3A_57 = arith.constant 1 : i32
      %add3A_58 = arith.addi %add3A_56, %add3A_57 : i32
      %select_n3A_59 = arith.constant true
      %select_n3A_60 = arith.constant 0 : i32
      %select_n3A_61 = arith.select %select_n3A_59, %add3A_58, %select_n3A_60 : i32
      "tpu.trace_stop"() : () -> ()
      %scan3A = arith.constant 0 : i32
      %scan3A_62 = arith.constant 0 : i32
      %scan3A_63 = arith.constant 0 : i32
      %scan3A_64 = arith.constant 0 : i32
      %scan3A_65 = arith.constant 0 : i32
      %scan3A_66 = arith.constant 48 : i32
      %scan3A_67 = arith.addi %scan3A_65, %scan3A_66 : i32
      %scan3A_68 = arith.constant 1 : i32
      %scan3A_69:5 = scf.for %scan3A_127 = %scan3A_65 to %scan3A_67 step %scan3A_68 iter_args(%scan3A_128 = %select_n3A_61, %scan3A_129 = %scan3A, %scan3A_130 = %scan3A_62, %scan3A_131 = %scan3A_63, %scan3A_132 = %scan3A_64) -> (i32, i32, i32, i32, i32)  : i32 {
        %eq3A_133 = arith.constant 0 : i32
        %eq3A_134 = arith.cmpi eq, %scan3A_127, %eq3A_133 : i32
        %eq3A_135 = arith.constant 47 : i32
        %eq3A_136 = arith.cmpi eq, %scan3A_127, %eq3A_135 : i32
        %add3A_137 = arith.addi %scan3A_132, %mul3A_6 : i32
        %sub3A_138 = arith.constant 1 : i32
        %sub3A_139 = arith.subi %scan3A_132, %sub3A_138 : i32
        %select_n3A_140 = arith.constant true
        %select_n3A_141 = arith.select %select_n3A_140, %sub3A_139, %scan3A_132 : i32
        %eq3A_142 = arith.constant -1 : i32
        %eq3A_143 = arith.cmpi eq, %select_n3A_141, %eq3A_142 : i32
        %select_n3A_144 = arith.constant 47 : i32
        %select_n3A_145 = arith.select %eq3A_143, %select_n3A_144, %select_n3A_141 : i32
        %add3A_146 = arith.addi %select_n3A_145, %mul3A_6 : i32
        %add3A_147 = arith.constant 1 : i32
        %add3A_148 = arith.addi %scan3A_132, %add3A_147 : i32
        %select_n3A_149 = arith.constant true
        %select_n3A_150 = arith.select %select_n3A_149, %add3A_148, %scan3A_132 : i32
        %eq3A_151 = arith.constant 48 : i32
        %eq3A_152 = arith.cmpi eq, %select_n3A_150, %eq3A_151 : i32
        %select_n3A_153 = arith.constant 0 : i32
        %select_n3A_154 = arith.select %eq3A_152, %select_n3A_153, %select_n3A_150 : i32
        %add3A_155 = arith.addi %select_n3A_154, %mul3A_6 : i32
        %add3A_156 = arith.constant 1 : i32
        %add3A_157 = arith.addi %select_n3A_154, %add3A_156 : i32
        %select_n3A_158 = arith.constant true
        %select_n3A_159 = arith.select %select_n3A_158, %add3A_157, %select_n3A_154 : i32
        %eq3A_160 = arith.constant 48 : i32
        %eq3A_161 = arith.cmpi eq, %select_n3A_159, %eq3A_160 : i32
        %select_n3A_162 = arith.constant 0 : i32
        %select_n3A_163 = arith.select %eq3A_161, %select_n3A_162, %select_n3A_159 : i32
        %add3A_164 = arith.addi %select_n3A_163, %mul3A_6 : i32
        %add3A_165 = arith.constant 2560 : i32
        %add3A_166 = arith.addi %add3A_137, %add3A_165 : i32
        %add3A_167 = arith.constant 2560 : i32
        %add3A_168 = arith.addi %add3A_155, %add3A_167 : i32
        %ne3A = arith.cmpi ne, %add3A_166, %add3A_168 : i32
        %or3A = arith.constant false
        %or3A_169 = arith.ori %or3A, %ne3A : i1
        %or3A_170 = arith.constant false
        %or3A_171 = arith.ori %or3A_169, %or3A_170 : i1
        %ge3A = arith.constant 47 : i32
        %ge3A_172 = arith.cmpi sge, %scan3A_127, %ge3A : i32
        %not3A = arith.constant true
        %not3A_173 = arith.xori %ge3A_172, %not3A : i1
        %and3A = arith.andi %or3A_171, %not3A_173 : i1
        %convert_element_type3A = arith.extui %and3A : i1 to i32
        %cond3A = arith.constant 0 : i32
        %cond3A_174 = arith.cmpi ne, %convert_element_type3A, %cond3A : i32
        scf.if %cond3A_174 {
          "tpu.trace_start"() <{level = 10 : i32, message = "ep_copy_in"}> : () -> ()
          %rem3A_312 = arith.constant 2 : i32
          %rem3A_313 = arith.remui %scan3A_128, %rem3A_312 : i32
          %add3A_314 = arith.constant 2560 : i32
          %add3A_315 = arith.addi %add3A_155, %add3A_314 : i32
          %mul3A_316 = arith.constant 1 : i32
          %mul3A_317 = arith.muli %mul3A_316, %add3A_315 : i32
          %dma_start3A_318 = arith.constant 0 : i32
          %dma_start3A_319 = arith.constant 0 : i32
          %dma_start3A_320 = tpu.memref_slice %run_scoped3A[%rem3A_313, %dma_start3A_318, %dma_start3A_319] : memref<2x1x1024xf32, #tpu.memory_space<vmem>> -> memref<1x1x1024xf32, #tpu.memory_space<vmem>>
          %dma_start3A_321 = tpu.memref_squeeze %dma_start3A_320 : memref<1x1x1024xf32, #tpu.memory_space<vmem>> -> memref<1x1024xf32, #tpu.memory_space<vmem>>
          %dma_start3A_322 = arith.constant 0 : i32
          %dma_start3A_323 = tpu.memref_slice %arg2[%mul3A_317, %dma_start3A_322] : memref<4096x1024xf32, #tpu.memory_space<hbm>> -> memref<1x1024xf32, #tpu.memory_space<hbm>>
          %dma_start3A_324 = tpu.memref_slice %run_scoped3A_7[%rem3A_313] : memref<2x!tpu.dma_semaphore, #tpu.memory_space<semaphore_mem>> -> memref<1x!tpu.dma_semaphore, #tpu.memory_space<semaphore_mem>>
          %dma_start3A_325 = tpu.memref_squeeze %dma_start3A_324 : memref<1x!tpu.dma_semaphore, #tpu.memory_space<semaphore_mem>> -> memref<!tpu.dma_semaphore, #tpu.memory_space<semaphore_mem>>
          %dma_start3A_326 = arith.constant 0 : i32
          %dma_start3A_327 = arith.constant 0 : i32
          %dma_start3A_328 = tpu.memref_slice %run_scoped3A[%rem3A_313, %dma_start3A_326, %dma_start3A_327] : memref<2x1x1024xf32, #tpu.memory_space<vmem>> -> memref<1x1x1024xf32, #tpu.memory_space<vmem>>
          %dma_start3A_329 = tpu.memref_squeeze %dma_start3A_328 : memref<1x1x1024xf32, #tpu.memory_space<vmem>> -> memref<1x1024xf32, #tpu.memory_space<vmem>>
          %dma_start3A_330 = arith.constant 0 : i32
          %dma_start3A_331 = tpu.memref_slice %arg2[%mul3A_317, %dma_start3A_330] : memref<4096x1024xf32, #tpu.memory_space<hbm>> -> memref<1x1024xf32, #tpu.memory_space<hbm>>
          tpu.enqueue_dma source(%dma_start3A_331 : memref<1x1024xf32, #tpu.memory_space<hbm>>) target(%dma_start3A_329 : memref<1x1024xf32, #tpu.memory_space<vmem>>) target_semaphore(%dma_start3A_325 : memref<!tpu.dma_semaphore, #tpu.memory_space<semaphore_mem>>)
          "tpu.trace_stop"() : () -> ()
        } else {
        }
        %and3A_175 = arith.constant true
        %and3A_176 = arith.andi %and3A, %and3A_175 : i1
        %add3A_177 = arith.constant 1 : i32
        %add3A_178 = arith.addi %scan3A_128, %add3A_177 : i32
        %select_n3A_179 = arith.select %and3A_176, %add3A_178, %scan3A_128 : i32
        %ne3A_180 = arith.cmpi ne, %add3A_137, %add3A_155 : i32
        %or3A_181 = arith.constant false
        %or3A_182 = arith.ori %or3A_181, %ne3A_180 : i1
        %or3A_183 = arith.constant false
        %or3A_184 = arith.ori %or3A_182, %or3A_183 : i1
        %or3A_185 = arith.constant false
        %or3A_186 = arith.ori %or3A_184, %or3A_185 : i1
        %ge3A_187 = arith.constant 47 : i32
        %ge3A_188 = arith.cmpi sge, %scan3A_127, %ge3A_187 : i32
        %not3A_189 = arith.constant true
        %not3A_190 = arith.xori %ge3A_188, %not3A_189 : i1
        %and3A_191 = arith.andi %or3A_186, %not3A_190 : i1
        %add3A_192 = arith.constant 2560 : i32
        %add3A_193 = arith.addi %add3A_137, %add3A_192 : i32
        %add3A_194 = arith.constant 2560 : i32
        %add3A_195 = arith.addi %add3A_146, %add3A_194 : i32
        %ne3A_196 = arith.cmpi ne, %add3A_193, %add3A_195 : i32
        %or3A_197 = arith.constant false
        %or3A_198 = arith.ori %or3A_197, %ne3A_196 : i1
        %or3A_199 = arith.constant false
        %or3A_200 = arith.ori %or3A_198, %or3A_199 : i1
        %or3A_201 = arith.ori %or3A_200, %eq3A_134 : i1
        %convert_element_type3A_202 = arith.extui %or3A_201 : i1 to i32
        %cond3A_203 = arith.constant 0 : i32
        %cond3A_204 = arith.cmpi ne, %convert_element_type3A_202, %cond3A_203 : i32
        scf.if %cond3A_204 {
          "tpu.trace_start"() <{level = 10 : i32, message = "ep_wait_in"}> : () -> ()
          %add3A_312 = arith.constant 2560 : i32
          %add3A_313 = arith.addi %add3A_137, %add3A_312 : i32
          %mul3A_314 = arith.constant 1 : i32
          %mul3A_315 = arith.muli %mul3A_314, %add3A_313 : i32
          %rem3A_316 = arith.constant 2 : i32
          %rem3A_317 = arith.remui %scan3A_129, %rem3A_316 : i32
          %dma_wait3A_318 = arith.constant 0 : i32
          %dma_wait3A_319 = arith.constant 0 : i32
          %dma_wait3A_320 = tpu.memref_slice %run_scoped3A[%rem3A_317, %dma_wait3A_318, %dma_wait3A_319] : memref<2x1x1024xf32, #tpu.memory_space<vmem>> -> memref<1x1x1024xf32, #tpu.memory_space<vmem>>
          %dma_wait3A_321 = tpu.memref_squeeze %dma_wait3A_320 : memref<1x1x1024xf32, #tpu.memory_space<vmem>> -> memref<1x1024xf32, #tpu.memory_space<vmem>>
          %dma_wait3A_322 = arith.constant 0 : i32
          %dma_wait3A_323 = tpu.memref_slice %arg2[%mul3A_315, %dma_wait3A_322] : memref<4096x1024xf32, #tpu.memory_space<hbm>> -> memref<1x1024xf32, #tpu.memory_space<hbm>>
          %dma_wait3A_324 = tpu.memref_slice %run_scoped3A_7[%rem3A_317] : memref<2x!tpu.dma_semaphore, #tpu.memory_space<semaphore_mem>> -> memref<1x!tpu.dma_semaphore, #tpu.memory_space<semaphore_mem>>
          %dma_wait3A_325 = tpu.memref_squeeze %dma_wait3A_324 : memref<1x!tpu.dma_semaphore, #tpu.memory_space<semaphore_mem>> -> memref<!tpu.dma_semaphore, #tpu.memory_space<semaphore_mem>>
          %dma_wait3A_326 = arith.constant 0 : i32
          %dma_wait3A_327 = arith.constant 0 : i32
          %dma_wait3A_328 = tpu.memref_slice %run_scoped3A[%rem3A_317, %dma_wait3A_326, %dma_wait3A_327] : memref<2x1x1024xf32, #tpu.memory_space<vmem>> -> memref<1x1x1024xf32, #tpu.memory_space<vmem>>
          %dma_wait3A_329 = tpu.memref_squeeze %dma_wait3A_328 : memref<1x1x1024xf32, #tpu.memory_space<vmem>> -> memref<1x1024xf32, #tpu.memory_space<vmem>>
          %dma_wait3A_330 = arith.constant 0 : i32
          %dma_wait3A_331 = tpu.memref_slice %arg2[%mul3A_315, %dma_wait3A_330] : memref<4096x1024xf32, #tpu.memory_space<hbm>> -> memref<1x1024xf32, #tpu.memory_space<hbm>>
          tpu.wait_dma2 semaphore(%dma_wait3A_325 : memref<!tpu.dma_semaphore, #tpu.memory_space<semaphore_mem>>) src(%dma_wait3A_331 : memref<1x1024xf32, #tpu.memory_space<hbm>>) dst(%dma_wait3A_329 : memref<1x1024xf32, #tpu.memory_space<vmem>>)
          "tpu.trace_stop"() : () -> ()
        } else {
        }
        %ne3A_205 = arith.cmpi ne, %add3A_137, %add3A_146 : i32
        %or3A_206 = arith.constant false
        %or3A_207 = arith.ori %or3A_206, %ne3A_205 : i1
        %or3A_208 = arith.constant false
        %or3A_209 = arith.ori %or3A_207, %or3A_208 : i1
        %or3A_210 = arith.constant false
        %or3A_211 = arith.ori %or3A_209, %or3A_210 : i1
        %or3A_212 = arith.ori %or3A_211, %eq3A_134 : i1
        %convert_element_type3A_213 = arith.extui %or3A_212 : i1 to i32
        %cond3A_214 = arith.constant 0 : i32
        %cond3A_215 = arith.cmpi ne, %convert_element_type3A_213, %cond3A_214 : i32
        scf.if %cond3A_215 {
        } else {
        }
        %rem3A_216 = arith.constant 2 : i32
        %rem3A_217 = arith.remui %scan3A_129, %rem3A_216 : i32
        %rem3A_218 = arith.constant 2 : i32
        %rem3A_219 = arith.remui %scan3A_130, %rem3A_218 : i32
        "tpu.trace_start"() <{level = 10 : i32, message = "ep_run_kernel"}> : () -> ()
        %scan3A_220 = arith.constant 0 : i32
        %scan3A_221 = arith.constant 64 : i32
        %scan3A_222 = arith.addi %scan3A_220, %scan3A_221 : i32
        %scan3A_223 = arith.constant 1 : i32
        scf.for %scan3A_312 = %scan3A_220 to %scan3A_222 step %scan3A_223  : i32 {
          %mul3A_313 = arith.constant 16 : i32
          %mul3A_314 = arith.muli %scan3A_312, %mul3A_313 : i32
          %add3A_315 = arith.constant 0 : i32
          %add3A_316 = arith.addi %add3A_315, %mul3A_314 : i32
          %get3A = arith.constant 0 : i32
          %get3A_317 = arith.constant 0 : i32
          %get3A_318 = arith.constant 0 : i32
          %get3A_319 = tpu.memref_slice %run_scoped3A[%rem3A_217, %get3A_317, %get3A_318] : memref<2x1x1024xf32, #tpu.memory_space<vmem>> -> memref<1x1x1024xf32, #tpu.memory_space<vmem>>
          %get3A_320 = tpu.memref_squeeze %get3A_319 : memref<1x1x1024xf32, #tpu.memory_space<vmem>> -> memref<1x1024xf32, #tpu.memory_space<vmem>>
          %get3A_321 = arith.index_cast %get3A : i32 to index
          %get3A_322 = arith.index_cast %add3A_316 : i32 to index
          %get3A_323 = tpu.vector_load %get3A_320[%get3A_321, %get3A_322] {strides = array<i32>} : memref<1x1024xf32, #tpu.memory_space<vmem>>, vector<16xf32>,
          %jit3A = arith.constant 0.000000e+00 : f32
          %jit3A_324 = arith.constant 1.550000e+01 : f32
          %max3A = vector.broadcast %jit3A : f32 to vector<16xf32>
          %max3A_325 = arith.maximumf %max3A, %get3A_323 : vector<16xf32>
          %min3A = vector.broadcast %jit3A_324 : f32 to vector<16xf32>
          %min3A_326 = arith.minimumf %min3A, %max3A_325 : vector<16xf32>
          %convert_element_type3A_327 = arith.fptosi %min3A_326 : vector<16xf32> to vector<16xi32>
          %eq3A_328 = arith.constant 0 : i32
          %eq3A_329 = vector.broadcast %eq3A_328 : i32 to vector<16xi32>
          %eq3A_330 = arith.cmpi eq, %convert_element_type3A_327, %eq3A_329 : vector<16xi32>
          %convert_element_type3A_331 = arith.extui %eq3A_330 : vector<16xi1> to vector<16xi32>
          %convert_element_type3A_332 = arith.sitofp %convert_element_type3A_331 : vector<16xi32> to vector<16xf32>
          %swap3A = arith.constant 0 : i32
          %swap3A_333 = arith.constant 0 : i32
          %swap3A_334 = arith.constant 0 : i32
          %swap3A_335 = arith.constant 0 : i32
          %swap3A_336 = arith.constant 0 : i32
          %swap3A_337 = tpu.memref_slice %run_scoped3A_8[%rem3A_219, %swap3A_334, %swap3A_335, %swap3A_336] : memref<2x1x16x1024xf32, #tpu.memory_space<vmem>> -> memref<1x1x16x1024xf32, #tpu.memory_space<vmem>>
          %swap3A_338 = tpu.memref_squeeze %swap3A_337 : memref<1x1x16x1024xf32, #tpu.memory_space<vmem>> -> memref<1x16x1024xf32, #tpu.memory_space<vmem>>
          %swap3A_339 = arith.index_cast %swap3A : i32 to index
          %swap3A_340 = arith.index_cast %swap3A_333 : i32 to index
          %swap3A_341 = arith.index_cast %add3A_316 : i32 to index
          %swap3A_342 = tpu.vector_load %swap3A_338[%swap3A_339, %swap3A_340, %swap3A_341] {strides = array<i32>} : memref<1x16x1024xf32, #tpu.memory_space<vmem>>, vector<16xf32>,
          tpu.vector_store %swap3A_338[%swap3A_339, %swap3A_340, %swap3A_341], %convert_element_type3A_332 {strides = array<i32>} : memref<1x16x1024xf32, #tpu.memory_space<vmem>>, vector<16xf32>,
          %eq3A_343 = arith.constant 1 : i32
          %eq3A_344 = vector.broadcast %eq3A_343 : i32 to vector<16xi32>
          %eq3A_345 = arith.cmpi eq, %convert_element_type3A_327, %eq3A_344 : vector<16xi32>
          %convert_element_type3A_346 = arith.extui %eq3A_345 : vector<16xi1> to vector<16xi32>
          %convert_element_type3A_347 = arith.sitofp %convert_element_type3A_346 : vector<16xi32> to vector<16xf32>
          %swap3A_348 = arith.constant 0 : i32
          %swap3A_349 = arith.constant 1 : i32
          %swap3A_350 = arith.constant 0 : i32
          %swap3A_351 = arith.constant 0 : i32
          %swap3A_352 = arith.constant 0 : i32
          %swap3A_353 = tpu.memref_slice %run_scoped3A_8[%rem3A_219, %swap3A_350, %swap3A_351, %swap3A_352] : memref<2x1x16x1024xf32, #tpu.memory_space<vmem>> -> memref<1x1x16x1024xf32, #tpu.memory_space<vmem>>
          %swap3A_354 = tpu.memref_squeeze %swap3A_353 : memref<1x1x16x1024xf32, #tpu.memory_space<vmem>> -> memref<1x16x1024xf32, #tpu.memory_space<vmem>>
          %swap3A_355 = arith.index_cast %swap3A_348 : i32 to index
          %swap3A_356 = arith.index_cast %swap3A_349 : i32 to index
          %swap3A_357 = arith.index_cast %add3A_316 : i32 to index
          %swap3A_358 = tpu.vector_load %swap3A_354[%swap3A_355, %swap3A_356, %swap3A_357] {strides = array<i32>} : memref<1x16x1024xf32, #tpu.memory_space<vmem>>, vector<16xf32>,
          tpu.vector_store %swap3A_354[%swap3A_355, %swap3A_356, %swap3A_357], %convert_element_type3A_347 {strides = array<i32>} : memref<1x16x1024xf32, #tpu.memory_space<vmem>>, vector<16xf32>,
          %eq3A_359 = arith.constant 2 : i32
          %eq3A_360 = vector.broadcast %eq3A_359 : i32 to vector<16xi32>
          %eq3A_361 = arith.cmpi eq, %convert_element_type3A_327, %eq3A_360 : vector<16xi32>
          %convert_element_type3A_362 = arith.extui %eq3A_361 : vector<16xi1> to vector<16xi32>
          %convert_element_type3A_363 = arith.sitofp %convert_element_type3A_362 : vector<16xi32> to vector<16xf32>
          %swap3A_364 = arith.constant 0 : i32
          %swap3A_365 = arith.constant 2 : i32
          %swap3A_366 = arith.constant 0 : i32
          %swap3A_367 = arith.constant 0 : i32
          %swap3A_368 = arith.constant 0 : i32
          %swap3A_369 = tpu.memref_slice %run_scoped3A_8[%rem3A_219, %swap3A_366, %swap3A_367, %swap3A_368] : memref<2x1x16x1024xf32, #tpu.memory_space<vmem>> -> memref<1x1x16x1024xf32, #tpu.memory_space<vmem>>
          %swap3A_370 = tpu.memref_squeeze %swap3A_369 : memref<1x1x16x1024xf32, #tpu.memory_space<vmem>> -> memref<1x16x1024xf32, #tpu.memory_space<vmem>>
          %swap3A_371 = arith.index_cast %swap3A_364 : i32 to index
          %swap3A_372 = arith.index_cast %swap3A_365 : i32 to index
          %swap3A_373 = arith.index_cast %add3A_316 : i32 to index
          %swap3A_374 = tpu.vector_load %swap3A_370[%swap3A_371, %swap3A_372, %swap3A_373] {strides = array<i32>} : memref<1x16x1024xf32, #tpu.memory_space<vmem>>, vector<16xf32>,
          tpu.vector_store %swap3A_370[%swap3A_371, %swap3A_372, %swap3A_373], %convert_element_type3A_363 {strides = array<i32>} : memref<1x16x1024xf32, #tpu.memory_space<vmem>>, vector<16xf32>,
          %eq3A_375 = arith.constant 3 : i32
          %eq3A_376 = vector.broadcast %eq3A_375 : i32 to vector<16xi32>
          %eq3A_377 = arith.cmpi eq, %convert_element_type3A_327, %eq3A_376 : vector<16xi32>
          %convert_element_type3A_378 = arith.extui %eq3A_377 : vector<16xi1> to vector<16xi32>
          %convert_element_type3A_379 = arith.sitofp %convert_element_type3A_378 : vector<16xi32> to vector<16xf32>
          %swap3A_380 = arith.constant 0 : i32
          %swap3A_381 = arith.constant 3 : i32
          %swap3A_382 = arith.constant 0 : i32
          %swap3A_383 = arith.constant 0 : i32
          %swap3A_384 = arith.constant 0 : i32
          %swap3A_385 = tpu.memref_slice %run_scoped3A_8[%rem3A_219, %swap3A_382, %swap3A_383, %swap3A_384] : memref<2x1x16x1024xf32, #tpu.memory_space<vmem>> -> memref<1x1x16x1024xf32, #tpu.memory_space<vmem>>
          %swap3A_386 = tpu.memref_squeeze %swap3A_385 : memref<1x1x16x1024xf32, #tpu.memory_space<vmem>> -> memref<1x16x1024xf32, #tpu.memory_space<vmem>>
          %swap3A_387 = arith.index_cast %swap3A_380 : i32 to index
          %swap3A_388 = arith.index_cast %swap3A_381 : i32 to index
          %swap3A_389 = arith.index_cast %add3A_316 : i32 to index
          %swap3A_390 = tpu.vector_load %swap3A_386[%swap3A_387, %swap3A_388, %swap3A_389] {strides = array<i32>} : memref<1x16x1024xf32, #tpu.memory_space<vmem>>, vector<16xf32>,
          tpu.vector_store %swap3A_386[%swap3A_387, %swap3A_388, %swap3A_389], %convert_element_type3A_379 {strides = array<i32>} : memref<1x16x1024xf32, #tpu.memory_space<vmem>>, vector<16xf32>,
          %eq3A_391 = arith.constant 4 : i32
          %eq3A_392 = vector.broadcast %eq3A_391 : i32 to vector<16xi32>
          %eq3A_393 = arith.cmpi eq, %convert_element_type3A_327, %eq3A_392 : vector<16xi32>
          %convert_element_type3A_394 = arith.extui %eq3A_393 : vector<16xi1> to vector<16xi32>
          %convert_element_type3A_395 = arith.sitofp %convert_element_type3A_394 : vector<16xi32> to vector<16xf32>
          %swap3A_396 = arith.constant 0 : i32
          %swap3A_397 = arith.constant 4 : i32
          %swap3A_398 = arith.constant 0 : i32
          %swap3A_399 = arith.constant 0 : i32
          %swap3A_400 = arith.constant 0 : i32
          %swap3A_401 = tpu.memref_slice %run_scoped3A_8[%rem3A_219, %swap3A_398, %swap3A_399, %swap3A_400] : memref<2x1x16x1024xf32, #tpu.memory_space<vmem>> -> memref<1x1x16x1024xf32, #tpu.memory_space<vmem>>
          %swap3A_402 = tpu.memref_squeeze %swap3A_401 : memref<1x1x16x1024xf32, #tpu.memory_space<vmem>> -> memref<1x16x1024xf32, #tpu.memory_space<vmem>>
          %swap3A_403 = arith.index_cast %swap3A_396 : i32 to index
          %swap3A_404 = arith.index_cast %swap3A_397 : i32 to index
          %swap3A_405 = arith.index_cast %add3A_316 : i32 to index
          %swap3A_406 = tpu.vector_load %swap3A_402[%swap3A_403, %swap3A_404, %swap3A_405] {strides = array<i32>} : memref<1x16x1024xf32, #tpu.memory_space<vmem>>, vector<16xf32>,
          tpu.vector_store %swap3A_402[%swap3A_403, %swap3A_404, %swap3A_405], %convert_element_type3A_395 {strides = array<i32>} : memref<1x16x1024xf32, #tpu.memory_space<vmem>>, vector<16xf32>,
          %eq3A_407 = arith.constant 5 : i32
          %eq3A_408 = vector.broadcast %eq3A_407 : i32 to vector<16xi32>
          %eq3A_409 = arith.cmpi eq, %convert_element_type3A_327, %eq3A_408 : vector<16xi32>
          %convert_element_type3A_410 = arith.extui %eq3A_409 : vector<16xi1> to vector<16xi32>
          %convert_element_type3A_411 = arith.sitofp %convert_element_type3A_410 : vector<16xi32> to vector<16xf32>
          %swap3A_412 = arith.constant 0 : i32
          %swap3A_413 = arith.constant 5 : i32
          %swap3A_414 = arith.constant 0 : i32
          %swap3A_415 = arith.constant 0 : i32
          %swap3A_416 = arith.constant 0 : i32
          %swap3A_417 = tpu.memref_slice %run_scoped3A_8[%rem3A_219, %swap3A_414, %swap3A_415, %swap3A_416] : memref<2x1x16x1024xf32, #tpu.memory_space<vmem>> -> memref<1x1x16x1024xf32, #tpu.memory_space<vmem>>
          %swap3A_418 = tpu.memref_squeeze %swap3A_417 : memref<1x1x16x1024xf32, #tpu.memory_space<vmem>> -> memref<1x16x1024xf32, #tpu.memory_space<vmem>>
          %swap3A_419 = arith.index_cast %swap3A_412 : i32 to index
          %swap3A_420 = arith.index_cast %swap3A_413 : i32 to index
          %swap3A_421 = arith.index_cast %add3A_316 : i32 to index
          %swap3A_422 = tpu.vector_load %swap3A_418[%swap3A_419, %swap3A_420, %swap3A_421] {strides = array<i32>} : memref<1x16x1024xf32, #tpu.memory_space<vmem>>, vector<16xf32>,
          tpu.vector_store %swap3A_418[%swap3A_419, %swap3A_420, %swap3A_421], %convert_element_type3A_411 {strides = array<i32>} : memref<1x16x1024xf32, #tpu.memory_space<vmem>>, vector<16xf32>,
          %eq3A_423 = arith.constant 6 : i32
          %eq3A_424 = vector.broadcast %eq3A_423 : i32 to vector<16xi32>
          %eq3A_425 = arith.cmpi eq, %convert_element_type3A_327, %eq3A_424 : vector<16xi32>
          %convert_element_type3A_426 = arith.extui %eq3A_425 : vector<16xi1> to vector<16xi32>
          %convert_element_type3A_427 = arith.sitofp %convert_element_type3A_426 : vector<16xi32> to vector<16xf32>
          %swap3A_428 = arith.constant 0 : i32
          %swap3A_429 = arith.constant 6 : i32
          %swap3A_430 = arith.constant 0 : i32
          %swap3A_431 = arith.constant 0 : i32
          %swap3A_432 = arith.constant 0 : i32
          %swap3A_433 = tpu.memref_slice %run_scoped3A_8[%rem3A_219, %swap3A_430, %swap3A_431, %swap3A_432] : memref<2x1x16x1024xf32, #tpu.memory_space<vmem>> -> memref<1x1x16x1024xf32, #tpu.memory_space<vmem>>
          %swap3A_434 = tpu.memref_squeeze %swap3A_433 : memref<1x1x16x1024xf32, #tpu.memory_space<vmem>> -> memref<1x16x1024xf32, #tpu.memory_space<vmem>>
          %swap3A_435 = arith.index_cast %swap3A_428 : i32 to index
          %swap3A_436 = arith.index_cast %swap3A_429 : i32 to index
          %swap3A_437 = arith.index_cast %add3A_316 : i32 to index
          %swap3A_438 = tpu.vector_load %swap3A_434[%swap3A_435, %swap3A_436, %swap3A_437] {strides = array<i32>} : memref<1x16x1024xf32, #tpu.memory_space<vmem>>, vector<16xf32>,
          tpu.vector_store %swap3A_434[%swap3A_435, %swap3A_436, %swap3A_437], %convert_element_type3A_427 {strides = array<i32>} : memref<1x16x1024xf32, #tpu.memory_space<vmem>>, vector<16xf32>,
          %eq3A_439 = arith.constant 7 : i32
          %eq3A_440 = vector.broadcast %eq3A_439 : i32 to vector<16xi32>
          %eq3A_441 = arith.cmpi eq, %convert_element_type3A_327, %eq3A_440 : vector<16xi32>
          %convert_element_type3A_442 = arith.extui %eq3A_441 : vector<16xi1> to vector<16xi32>
          %convert_element_type3A_443 = arith.sitofp %convert_element_type3A_442 : vector<16xi32> to vector<16xf32>
          %swap3A_444 = arith.constant 0 : i32
          %swap3A_445 = arith.constant 7 : i32
          %swap3A_446 = arith.constant 0 : i32
          %swap3A_447 = arith.constant 0 : i32
          %swap3A_448 = arith.constant 0 : i32
          %swap3A_449 = tpu.memref_slice %run_scoped3A_8[%rem3A_219, %swap3A_446, %swap3A_447, %swap3A_448] : memref<2x1x16x1024xf32, #tpu.memory_space<vmem>> -> memref<1x1x16x1024xf32, #tpu.memory_space<vmem>>
          %swap3A_450 = tpu.memref_squeeze %swap3A_449 : memref<1x1x16x1024xf32, #tpu.memory_space<vmem>> -> memref<1x16x1024xf32, #tpu.memory_space<vmem>>
          %swap3A_451 = arith.index_cast %swap3A_444 : i32 to index
          %swap3A_452 = arith.index_cast %swap3A_445 : i32 to index
          %swap3A_453 = arith.index_cast %add3A_316 : i32 to index
          %swap3A_454 = tpu.vector_load %swap3A_450[%swap3A_451, %swap3A_452, %swap3A_453] {strides = array<i32>} : memref<1x16x1024xf32, #tpu.memory_space<vmem>>, vector<16xf32>,
          tpu.vector_store %swap3A_450[%swap3A_451, %swap3A_452, %swap3A_453], %convert_element_type3A_443 {strides = array<i32>} : memref<1x16x1024xf32, #tpu.memory_space<vmem>>, vector<16xf32>,
          %eq3A_455 = arith.constant 8 : i32
          %eq3A_456 = vector.broadcast %eq3A_455 : i32 to vector<16xi32>
          %eq3A_457 = arith.cmpi eq, %convert_element_type3A_327, %eq3A_456 : vector<16xi32>
          %convert_element_type3A_458 = arith.extui %eq3A_457 : vector<16xi1> to vector<16xi32>
          %convert_element_type3A_459 = arith.sitofp %convert_element_type3A_458 : vector<16xi32> to vector<16xf32>
          %swap3A_460 = arith.constant 0 : i32
          %swap3A_461 = arith.constant 8 : i32
          %swap3A_462 = arith.constant 0 : i32
          %swap3A_463 = arith.constant 0 : i32
          %swap3A_464 = arith.constant 0 : i32
          %swap3A_465 = tpu.memref_slice %run_scoped3A_8[%rem3A_219, %swap3A_462, %swap3A_463, %swap3A_464] : memref<2x1x16x1024xf32, #tpu.memory_space<vmem>> -> memref<1x1x16x1024xf32, #tpu.memory_space<vmem>>
          %swap3A_466 = tpu.memref_squeeze %swap3A_465 : memref<1x1x16x1024xf32, #tpu.memory_space<vmem>> -> memref<1x16x1024xf32, #tpu.memory_space<vmem>>
          %swap3A_467 = arith.index_cast %swap3A_460 : i32 to index
          %swap3A_468 = arith.index_cast %swap3A_461 : i32 to index
          %swap3A_469 = arith.index_cast %add3A_316 : i32 to index
          %swap3A_470 = tpu.vector_load %swap3A_466[%swap3A_467, %swap3A_468, %swap3A_469] {strides = array<i32>} : memref<1x16x1024xf32, #tpu.memory_space<vmem>>, vector<16xf32>,
          tpu.vector_store %swap3A_466[%swap3A_467, %swap3A_468, %swap3A_469], %convert_element_type3A_459 {strides = array<i32>} : memref<1x16x1024xf32, #tpu.memory_space<vmem>>, vector<16xf32>,
          %eq3A_471 = arith.constant 9 : i32
          %eq3A_472 = vector.broadcast %eq3A_471 : i32 to vector<16xi32>
          %eq3A_473 = arith.cmpi eq, %convert_element_type3A_327, %eq3A_472 : vector<16xi32>
          %convert_element_type3A_474 = arith.extui %eq3A_473 : vector<16xi1> to vector<16xi32>
          %convert_element_type3A_475 = arith.sitofp %convert_element_type3A_474 : vector<16xi32> to vector<16xf32>
          %swap3A_476 = arith.constant 0 : i32
          %swap3A_477 = arith.constant 9 : i32
          %swap3A_478 = arith.constant 0 : i32
          %swap3A_479 = arith.constant 0 : i32
          %swap3A_480 = arith.constant 0 : i32
          %swap3A_481 = tpu.memref_slice %run_scoped3A_8[%rem3A_219, %swap3A_478, %swap3A_479, %swap3A_480] : memref<2x1x16x1024xf32, #tpu.memory_space<vmem>> -> memref<1x1x16x1024xf32, #tpu.memory_space<vmem>>
          %swap3A_482 = tpu.memref_squeeze %swap3A_481 : memref<1x1x16x1024xf32, #tpu.memory_space<vmem>> -> memref<1x16x1024xf32, #tpu.memory_space<vmem>>
          %swap3A_483 = arith.index_cast %swap3A_476 : i32 to index
          %swap3A_484 = arith.index_cast %swap3A_477 : i32 to index
          %swap3A_485 = arith.index_cast %add3A_316 : i32 to index
          %swap3A_486 = tpu.vector_load %swap3A_482[%swap3A_483, %swap3A_484, %swap3A_485] {strides = array<i32>} : memref<1x16x1024xf32, #tpu.memory_space<vmem>>, vector<16xf32>,
          tpu.vector_store %swap3A_482[%swap3A_483, %swap3A_484, %swap3A_485], %convert_element_type3A_475 {strides = array<i32>} : memref<1x16x1024xf32, #tpu.memory_space<vmem>>, vector<16xf32>,
          %eq3A_487 = arith.constant 10 : i32
          %eq3A_488 = vector.broadcast %eq3A_487 : i32 to vector<16xi32>
          %eq3A_489 = arith.cmpi eq, %convert_element_type3A_327, %eq3A_488 : vector<16xi32>
          %convert_element_type3A_490 = arith.extui %eq3A_489 : vector<16xi1> to vector<16xi32>
          %convert_element_type3A_491 = arith.sitofp %convert_element_type3A_490 : vector<16xi32> to vector<16xf32>
          %swap3A_492 = arith.constant 0 : i32
          %swap3A_493 = arith.constant 10 : i32
          %swap3A_494 = arith.constant 0 : i32
          %swap3A_495 = arith.constant 0 : i32
          %swap3A_496 = arith.constant 0 : i32
          %swap3A_497 = tpu.memref_slice %run_scoped3A_8[%rem3A_219, %swap3A_494, %swap3A_495, %swap3A_496] : memref<2x1x16x1024xf32, #tpu.memory_space<vmem>> -> memref<1x1x16x1024xf32, #tpu.memory_space<vmem>>
          %swap3A_498 = tpu.memref_squeeze %swap3A_497 : memref<1x1x16x1024xf32, #tpu.memory_space<vmem>> -> memref<1x16x1024xf32, #tpu.memory_space<vmem>>
          %swap3A_499 = arith.index_cast %swap3A_492 : i32 to index
          %swap3A_500 = arith.index_cast %swap3A_493 : i32 to index
          %swap3A_501 = arith.index_cast %add3A_316 : i32 to index
          %swap3A_502 = tpu.vector_load %swap3A_498[%swap3A_499, %swap3A_500, %swap3A_501] {strides = array<i32>} : memref<1x16x1024xf32, #tpu.memory_space<vmem>>, vector<16xf32>,
          tpu.vector_store %swap3A_498[%swap3A_499, %swap3A_500, %swap3A_501], %convert_element_type3A_491 {strides = array<i32>} : memref<1x16x1024xf32, #tpu.memory_space<vmem>>, vector<16xf32>,
          %eq3A_503 = arith.constant 11 : i32
          %eq3A_504 = vector.broadcast %eq3A_503 : i32 to vector<16xi32>
          %eq3A_505 = arith.cmpi eq, %convert_element_type3A_327, %eq3A_504 : vector<16xi32>
          %convert_element_type3A_506 = arith.extui %eq3A_505 : vector<16xi1> to vector<16xi32>
          %convert_element_type3A_507 = arith.sitofp %convert_element_type3A_506 : vector<16xi32> to vector<16xf32>
          %swap3A_508 = arith.constant 0 : i32
          %swap3A_509 = arith.constant 11 : i32
          %swap3A_510 = arith.constant 0 : i32
          %swap3A_511 = arith.constant 0 : i32
          %swap3A_512 = arith.constant 0 : i32
          %swap3A_513 = tpu.memref_slice %run_scoped3A_8[%rem3A_219, %swap3A_510, %swap3A_511, %swap3A_512] : memref<2x1x16x1024xf32, #tpu.memory_space<vmem>> -> memref<1x1x16x1024xf32, #tpu.memory_space<vmem>>
          %swap3A_514 = tpu.memref_squeeze %swap3A_513 : memref<1x1x16x1024xf32, #tpu.memory_space<vmem>> -> memref<1x16x1024xf32, #tpu.memory_space<vmem>>
          %swap3A_515 = arith.index_cast %swap3A_508 : i32 to index
          %swap3A_516 = arith.index_cast %swap3A_509 : i32 to index
          %swap3A_517 = arith.index_cast %add3A_316 : i32 to index
          %swap3A_518 = tpu.vector_load %swap3A_514[%swap3A_515, %swap3A_516, %swap3A_517] {strides = array<i32>} : memref<1x16x1024xf32, #tpu.memory_space<vmem>>, vector<16xf32>,
          tpu.vector_store %swap3A_514[%swap3A_515, %swap3A_516, %swap3A_517], %convert_element_type3A_507 {strides = array<i32>} : memref<1x16x1024xf32, #tpu.memory_space<vmem>>, vector<16xf32>,
          %eq3A_519 = arith.constant 12 : i32
          %eq3A_520 = vector.broadcast %eq3A_519 : i32 to vector<16xi32>
          %eq3A_521 = arith.cmpi eq, %convert_element_type3A_327, %eq3A_520 : vector<16xi32>
          %convert_element_type3A_522 = arith.extui %eq3A_521 : vector<16xi1> to vector<16xi32>
          %convert_element_type3A_523 = arith.sitofp %convert_element_type3A_522 : vector<16xi32> to vector<16xf32>
          %swap3A_524 = arith.constant 0 : i32
          %swap3A_525 = arith.constant 12 : i32
          %swap3A_526 = arith.constant 0 : i32
          %swap3A_527 = arith.constant 0 : i32
          %swap3A_528 = arith.constant 0 : i32
          %swap3A_529 = tpu.memref_slice %run_scoped3A_8[%rem3A_219, %swap3A_526, %swap3A_527, %swap3A_528] : memref<2x1x16x1024xf32, #tpu.memory_space<vmem>> -> memref<1x1x16x1024xf32, #tpu.memory_space<vmem>>
          %swap3A_530 = tpu.memref_squeeze %swap3A_529 : memref<1x1x16x1024xf32, #tpu.memory_space<vmem>> -> memref<1x16x1024xf32, #tpu.memory_space<vmem>>
          %swap3A_531 = arith.index_cast %swap3A_524 : i32 to index
          %swap3A_532 = arith.index_cast %swap3A_525 : i32 to index
          %swap3A_533 = arith.index_cast %add3A_316 : i32 to index
          %swap3A_534 = tpu.vector_load %swap3A_530[%swap3A_531, %swap3A_532, %swap3A_533] {strides = array<i32>} : memref<1x16x1024xf32, #tpu.memory_space<vmem>>, vector<16xf32>,
          tpu.vector_store %swap3A_530[%swap3A_531, %swap3A_532, %swap3A_533], %convert_element_type3A_523 {strides = array<i32>} : memref<1x16x1024xf32, #tpu.memory_space<vmem>>, vector<16xf32>,
          %eq3A_535 = arith.constant 13 : i32
          %eq3A_536 = vector.broadcast %eq3A_535 : i32 to vector<16xi32>
          %eq3A_537 = arith.cmpi eq, %convert_element_type3A_327, %eq3A_536 : vector<16xi32>
          %convert_element_type3A_538 = arith.extui %eq3A_537 : vector<16xi1> to vector<16xi32>
          %convert_element_type3A_539 = arith.sitofp %convert_element_type3A_538 : vector<16xi32> to vector<16xf32>
          %swap3A_540 = arith.constant 0 : i32
          %swap3A_541 = arith.constant 13 : i32
          %swap3A_542 = arith.constant 0 : i32
          %swap3A_543 = arith.constant 0 : i32
          %swap3A_544 = arith.constant 0 : i32
          %swap3A_545 = tpu.memref_slice %run_scoped3A_8[%rem3A_219, %swap3A_542, %swap3A_543, %swap3A_544] : memref<2x1x16x1024xf32, #tpu.memory_space<vmem>> -> memref<1x1x16x1024xf32, #tpu.memory_space<vmem>>
          %swap3A_546 = tpu.memref_squeeze %swap3A_545 : memref<1x1x16x1024xf32, #tpu.memory_space<vmem>> -> memref<1x16x1024xf32, #tpu.memory_space<vmem>>
          %swap3A_547 = arith.index_cast %swap3A_540 : i32 to index
          %swap3A_548 = arith.index_cast %swap3A_541 : i32 to index
          %swap3A_549 = arith.index_cast %add3A_316 : i32 to index
          %swap3A_550 = tpu.vector_load %swap3A_546[%swap3A_547, %swap3A_548, %swap3A_549] {strides = array<i32>} : memref<1x16x1024xf32, #tpu.memory_space<vmem>>, vector<16xf32>,
          tpu.vector_store %swap3A_546[%swap3A_547, %swap3A_548, %swap3A_549], %convert_element_type3A_539 {strides = array<i32>} : memref<1x16x1024xf32, #tpu.memory_space<vmem>>, vector<16xf32>,
          %eq3A_551 = arith.constant 14 : i32
          %eq3A_552 = vector.broadcast %eq3A_551 : i32 to vector<16xi32>
          %eq3A_553 = arith.cmpi eq, %convert_element_type3A_327, %eq3A_552 : vector<16xi32>
          %convert_element_type3A_554 = arith.extui %eq3A_553 : vector<16xi1> to vector<16xi32>
          %convert_element_type3A_555 = arith.sitofp %convert_element_type3A_554 : vector<16xi32> to vector<16xf32>
          %swap3A_556 = arith.constant 0 : i32
          %swap3A_557 = arith.constant 14 : i32
          %swap3A_558 = arith.constant 0 : i32
          %swap3A_559 = arith.constant 0 : i32
          %swap3A_560 = arith.constant 0 : i32
          %swap3A_561 = tpu.memref_slice %run_scoped3A_8[%rem3A_219, %swap3A_558, %swap3A_559, %swap3A_560] : memref<2x1x16x1024xf32, #tpu.memory_space<vmem>> -> memref<1x1x16x1024xf32, #tpu.memory_space<vmem>>
          %swap3A_562 = tpu.memref_squeeze %swap3A_561 : memref<1x1x16x1024xf32, #tpu.memory_space<vmem>> -> memref<1x16x1024xf32, #tpu.memory_space<vmem>>
          %swap3A_563 = arith.index_cast %swap3A_556 : i32 to index
          %swap3A_564 = arith.index_cast %swap3A_557 : i32 to index
          %swap3A_565 = arith.index_cast %add3A_316 : i32 to index
          %swap3A_566 = tpu.vector_load %swap3A_562[%swap3A_563, %swap3A_564, %swap3A_565] {strides = array<i32>} : memref<1x16x1024xf32, #tpu.memory_space<vmem>>, vector<16xf32>,
          tpu.vector_store %swap3A_562[%swap3A_563, %swap3A_564, %swap3A_565], %convert_element_type3A_555 {strides = array<i32>} : memref<1x16x1024xf32, #tpu.memory_space<vmem>>, vector<16xf32>,
          %eq3A_567 = arith.constant 15 : i32
          %eq3A_568 = vector.broadcast %eq3A_567 : i32 to vector<16xi32>
          %eq3A_569 = arith.cmpi eq, %convert_element_type3A_327, %eq3A_568 : vector<16xi32>
          %convert_element_type3A_570 = arith.extui %eq3A_569 : vector<16xi1> to vector<16xi32>
          %convert_element_type3A_571 = arith.sitofp %convert_element_type3A_570 : vector<16xi32> to vector<16xf32>
          %swap3A_572 = arith.constant 0 : i32
          %swap3A_573 = arith.constant 15 : i32
          %swap3A_574 = arith.constant 0 : i32
          %swap3A_575 = arith.constant 0 : i32
          %swap3A_576 = arith.constant 0 : i32
          %swap3A_577 = tpu.memref_slice %run_scoped3A_8[%rem3A_219, %swap3A_574, %swap3A_575, %swap3A_576] : memref<2x1x16x1024xf32, #tpu.memory_space<vmem>> -> memref<1x1x16x1024xf32, #tpu.memory_space<vmem>>
          %swap3A_578 = tpu.memref_squeeze %swap3A_577 : memref<1x1x16x1024xf32, #tpu.memory_space<vmem>> -> memref<1x16x1024xf32, #tpu.memory_space<vmem>>
          %swap3A_579 = arith.index_cast %swap3A_572 : i32 to index
          %swap3A_580 = arith.index_cast %swap3A_573 : i32 to index
          %swap3A_581 = arith.index_cast %add3A_316 : i32 to index
          %swap3A_582 = tpu.vector_load %swap3A_578[%swap3A_579, %swap3A_580, %swap3A_581] {strides = array<i32>} : memref<1x16x1024xf32, #tpu.memory_space<vmem>>, vector<16xf32>,
          tpu.vector_store %swap3A_578[%swap3A_579, %swap3A_580, %swap3A_581], %convert_element_type3A_571 {strides = array<i32>} : memref<1x16x1024xf32, #tpu.memory_space<vmem>>, vector<16xf32>,
        }
        %scan3A_224 = arith.constant 64 : i32
        "tpu.trace_stop"() : () -> ()
        %add3A_225 = arith.constant 2560 : i32
        %add3A_226 = arith.addi %add3A_137, %add3A_225 : i32
        %add3A_227 = arith.constant 2560 : i32
        %add3A_228 = arith.addi %add3A_155, %add3A_227 : i32
        %ne3A_229 = arith.cmpi ne, %add3A_226, %add3A_228 : i32
        %or3A_230 = arith.constant false
        %or3A_231 = arith.ori %or3A_230, %ne3A_229 : i1
        %or3A_232 = arith.constant false
        %or3A_233 = arith.ori %or3A_231, %or3A_232 : i1
        %or3A_234 = arith.ori %or3A_233, %eq3A_136 : i1
        %convert_element_type3A_235 = arith.extui %or3A_234 : i1 to i32
        %cond3A_236 = arith.constant 0 : i32
        %cond3A_237 = arith.cmpi ne, %convert_element_type3A_235, %cond3A_236 : i32
        scf.if %cond3A_237 {
        } else {
        }
        %and3A_238 = arith.constant false
        %and3A_239 = arith.andi %or3A_234, %and3A_238 : i1
        %ne3A_240 = arith.cmpi ne, %add3A_137, %add3A_155 : i32
        %or3A_241 = arith.constant false
        %or3A_242 = arith.ori %or3A_241, %ne3A_240 : i1
        %or3A_243 = arith.constant false
        %or3A_244 = arith.ori %or3A_242, %or3A_243 : i1
        %or3A_245 = arith.constant false
        %or3A_246 = arith.ori %or3A_244, %or3A_245 : i1
        %or3A_247 = arith.ori %or3A_246, %eq3A_136 : i1
        %convert_element_type3A_248 = arith.extui %or3A_247 : i1 to i32
        %cond3A_249 = arith.constant 0 : i32
        %cond3A_250 = arith.cmpi ne, %convert_element_type3A_248, %cond3A_249 : i32
        scf.if %cond3A_250 {
          "tpu.trace_start"() <{level = 10 : i32, message = "ep_copy_out"}> : () -> ()
          %rem3A_312 = arith.constant 2 : i32
          %rem3A_313 = arith.remui %scan3A_130, %rem3A_312 : i32
          %mul3A_314 = arith.constant 1 : i32
          %mul3A_315 = arith.muli %mul3A_314, %add3A_137 : i32
          %dma_start3A_316 = arith.constant 0 : i32
          %dma_start3A_317 = arith.constant 0 : i32
          %dma_start3A_318 = arith.constant 0 : i32
          %dma_start3A_319 = tpu.memref_slice %run_scoped3A_8[%rem3A_313, %dma_start3A_316, %dma_start3A_317, %dma_start3A_318] : memref<2x1x16x1024xf32, #tpu.memory_space<vmem>> -> memref<1x1x16x1024xf32, #tpu.memory_space<vmem>>
          %dma_start3A_320 = tpu.memref_squeeze %dma_start3A_319 : memref<1x1x16x1024xf32, #tpu.memory_space<vmem>> -> memref<1x16x1024xf32, #tpu.memory_space<vmem>>
          %dma_start3A_321 = arith.constant 0 : i32
          %dma_start3A_322 = arith.constant 0 : i32
          %dma_start3A_323 = tpu.memref_slice %arg3[%mul3A_315, %dma_start3A_321, %dma_start3A_322] : memref<1536x16x1024xf32, #tpu.memory_space<hbm>> -> memref<1x16x1024xf32, #tpu.memory_space<hbm>>
          %dma_start3A_324 = tpu.memref_slice %run_scoped3A_9[%rem3A_313] : memref<2x!tpu.dma_semaphore, #tpu.memory_space<semaphore_mem>> -> memref<1x!tpu.dma_semaphore, #tpu.memory_space<semaphore_mem>>
          %dma_start3A_325 = tpu.memref_squeeze %dma_start3A_324 : memref<1x!tpu.dma_semaphore, #tpu.memory_space<semaphore_mem>> -> memref<!tpu.dma_semaphore, #tpu.memory_space<semaphore_mem>>
          %dma_start3A_326 = arith.constant 0 : i32
          %dma_start3A_327 = arith.constant 0 : i32
          %dma_start3A_328 = tpu.memref_slice %arg3[%mul3A_315, %dma_start3A_326, %dma_start3A_327] : memref<1536x16x1024xf32, #tpu.memory_space<hbm>> -> memref<1x16x1024xf32, #tpu.memory_space<hbm>>
          %dma_start3A_329 = arith.constant 0 : i32
          %dma_start3A_330 = arith.constant 0 : i32
          %dma_start3A_331 = arith.constant 0 : i32
          %dma_start3A_332 = tpu.memref_slice %run_scoped3A_8[%rem3A_313, %dma_start3A_329, %dma_start3A_330, %dma_start3A_331] : memref<2x1x16x1024xf32, #tpu.memory_space<vmem>> -> memref<1x1x16x1024xf32, #tpu.memory_space<vmem>>
          %dma_start3A_333 = tpu.memref_squeeze %dma_start3A_332 : memref<1x1x16x1024xf32, #tpu.memory_space<vmem>> -> memref<1x16x1024xf32, #tpu.memory_space<vmem>>
          tpu.enqueue_dma source(%dma_start3A_333 : memref<1x16x1024xf32, #tpu.memory_space<vmem>>) target(%dma_start3A_328 : memref<1x16x1024xf32, #tpu.memory_space<hbm>>) target_semaphore(%dma_start3A_325 : memref<!tpu.dma_semaphore, #tpu.memory_space<semaphore_mem>>)
          "tpu.trace_stop"() : () -> ()
        } else {
        }
        %and3A_251 = arith.constant true
        %and3A_252 = arith.andi %or3A_247, %and3A_251 : i1
        %add3A_253 = arith.constant 1 : i32
        %add3A_254 = arith.addi %scan3A_130, %add3A_253 : i32
        %select_n3A_255 = arith.select %and3A_252, %add3A_254, %scan3A_130 : i32
        %add3A_256 = arith.constant 2560 : i32
        %add3A_257 = arith.addi %add3A_137, %add3A_256 : i32
        %add3A_258 = arith.constant 2560 : i32
        %add3A_259 = arith.addi %add3A_146, %add3A_258 : i32
        %ne3A_260 = arith.cmpi ne, %add3A_257, %add3A_259 : i32
        %or3A_261 = arith.constant false
        %or3A_262 = arith.ori %or3A_261, %ne3A_260 : i1
        %or3A_263 = arith.constant false
        %or3A_264 = arith.ori %or3A_262, %or3A_263 : i1
        %not3A_265 = arith.constant true
        %not3A_266 = arith.xori %eq3A_134, %not3A_265 : i1
        %and3A_267 = arith.andi %or3A_264, %not3A_266 : i1
        %convert_element_type3A_268 = arith.extui %and3A_267 : i1 to i32
        %cond3A_269 = arith.constant 0 : i32
        %cond3A_270 = arith.cmpi ne, %convert_element_type3A_268, %cond3A_269 : i32
        scf.if %cond3A_270 {
        } else {
        }
        %and3A_271 = arith.constant false
        %and3A_272 = arith.andi %and3A_267, %and3A_271 : i1
        %ne3A_273 = arith.cmpi ne, %add3A_137, %add3A_146 : i32
        %or3A_274 = arith.constant false
        %or3A_275 = arith.ori %or3A_274, %ne3A_273 : i1
        %or3A_276 = arith.constant false
        %or3A_277 = arith.ori %or3A_275, %or3A_276 : i1
        %or3A_278 = arith.constant false
        %or3A_279 = arith.ori %or3A_277, %or3A_278 : i1
        %not3A_280 = arith.constant true
        %not3A_281 = arith.xori %eq3A_134, %not3A_280 : i1
        %and3A_282 = arith.andi %or3A_279, %not3A_281 : i1
        %convert_element_type3A_283 = arith.extui %and3A_282 : i1 to i32
        %cond3A_284 = arith.constant 0 : i32
        %cond3A_285 = arith.cmpi ne, %convert_element_type3A_283, %cond3A_284 : i32
        scf.if %cond3A_285 {
          "tpu.trace_start"() <{level = 10 : i32, message = "ep_wait_out"}> : () -> ()
          %rem3A_312 = arith.constant 2 : i32
          %rem3A_313 = arith.remui %scan3A_131, %rem3A_312 : i32
          %mul3A_314 = arith.constant 1 : i32
          %mul3A_315 = arith.muli %mul3A_314, %add3A_146 : i32
          %dma_wait3A_316 = arith.constant 0 : i32
          %dma_wait3A_317 = arith.constant 0 : i32
          %dma_wait3A_318 = arith.constant 0 : i32
          %dma_wait3A_319 = tpu.memref_slice %run_scoped3A_8[%rem3A_313, %dma_wait3A_316, %dma_wait3A_317, %dma_wait3A_318] : memref<2x1x16x1024xf32, #tpu.memory_space<vmem>> -> memref<1x1x16x1024xf32, #tpu.memory_space<vmem>>
          %dma_wait3A_320 = tpu.memref_squeeze %dma_wait3A_319 : memref<1x1x16x1024xf32, #tpu.memory_space<vmem>> -> memref<1x16x1024xf32, #tpu.memory_space<vmem>>
          %dma_wait3A_321 = arith.constant 0 : i32
          %dma_wait3A_322 = arith.constant 0 : i32
          %dma_wait3A_323 = tpu.memref_slice %arg3[%mul3A_315, %dma_wait3A_321, %dma_wait3A_322] : memref<1536x16x1024xf32, #tpu.memory_space<hbm>> -> memref<1x16x1024xf32, #tpu.memory_space<hbm>>
          %dma_wait3A_324 = tpu.memref_slice %run_scoped3A_9[%rem3A_313] : memref<2x!tpu.dma_semaphore, #tpu.memory_space<semaphore_mem>> -> memref<1x!tpu.dma_semaphore, #tpu.memory_space<semaphore_mem>>
          %dma_wait3A_325 = tpu.memref_squeeze %dma_wait3A_324 : memref<1x!tpu.dma_semaphore, #tpu.memory_space<semaphore_mem>> -> memref<!tpu.dma_semaphore, #tpu.memory_space<semaphore_mem>>
          %dma_wait3A_326 = arith.constant 0 : i32
          %dma_wait3A_327 = arith.constant 0 : i32
          %dma_wait3A_328 = tpu.memref_slice %arg3[%mul3A_315, %dma_wait3A_326, %dma_wait3A_327] : memref<1536x16x1024xf32, #tpu.memory_space<hbm>> -> memref<1x16x1024xf32, #tpu.memory_space<hbm>>
          %dma_wait3A_329 = arith.constant 0 : i32
          %dma_wait3A_330 = arith.constant 0 : i32
          %dma_wait3A_331 = arith.constant 0 : i32
          %dma_wait3A_332 = tpu.memref_slice %run_scoped3A_8[%rem3A_313, %dma_wait3A_329, %dma_wait3A_330, %dma_wait3A_331] : memref<2x1x16x1024xf32, #tpu.memory_space<vmem>> -> memref<1x1x16x1024xf32, #tpu.memory_space<vmem>>
          %dma_wait3A_333 = tpu.memref_squeeze %dma_wait3A_332 : memref<1x1x16x1024xf32, #tpu.memory_space<vmem>> -> memref<1x16x1024xf32, #tpu.memory_space<vmem>>
          tpu.wait_dma2 semaphore(%dma_wait3A_325 : memref<!tpu.dma_semaphore, #tpu.memory_space<semaphore_mem>>) src(%dma_wait3A_333 : memref<1x16x1024xf32, #tpu.memory_space<vmem>>) dst(%dma_wait3A_328 : memref<1x16x1024xf32, #tpu.memory_space<hbm>>)
          "tpu.trace_stop"() : () -> ()
        } else {
        }
        %and3A_286 = arith.constant true
        %and3A_287 = arith.andi %and3A_282, %and3A_286 : i1
        %add3A_288 = arith.constant 1 : i32
        %add3A_289 = arith.addi %scan3A_131, %add3A_288 : i32
        %select_n3A_290 = arith.select %and3A_287, %add3A_289, %scan3A_131 : i32
        %add3A_291 = arith.constant 2560 : i32
        %add3A_292 = arith.addi %add3A_137, %add3A_291 : i32
        %add3A_293 = arith.constant 2560 : i32
        %add3A_294 = arith.addi %add3A_155, %add3A_293 : i32
        %ne3A_295 = arith.cmpi ne, %add3A_292, %add3A_294 : i32
        %or3A_296 = arith.constant false
        %or3A_297 = arith.ori %or3A_296, %ne3A_295 : i1
        %or3A_298 = arith.constant false
        %or3A_299 = arith.ori %or3A_297, %or3A_298 : i1
        %or3A_300 = arith.ori %or3A_299, %eq3A_136 : i1
        %add3A_301 = arith.constant 1 : i32
        %add3A_302 = arith.addi %scan3A_129, %add3A_301 : i32
        %select_n3A_303 = arith.select %or3A_300, %add3A_302, %scan3A_129 : i32
        %add3A_304 = arith.constant 1 : i32
        %add3A_305 = arith.addi %scan3A_132, %add3A_304 : i32
        %select_n3A_306 = arith.constant true
        %select_n3A_307 = arith.select %select_n3A_306, %add3A_305, %scan3A_132 : i32
        %eq3A_308 = arith.constant 48 : i32
        %eq3A_309 = arith.cmpi eq, %select_n3A_307, %eq3A_308 : i32
        %select_n3A_310 = arith.constant 0 : i32
        %select_n3A_311 = arith.select %eq3A_309, %select_n3A_310, %select_n3A_307 : i32
        scf.yield %select_n3A_179, %select_n3A_303, %select_n3A_255, %select_n3A_290, %select_n3A_311 : i32, i32, i32, i32, i32
      }
      %scan3A_70 = arith.constant 48 : i32
      %sub3A = arith.constant 1 : i32
      %sub3A_71 = arith.subi %scan3A_69#4, %sub3A : i32
      %select_n3A_72 = arith.constant true
      %select_n3A_73 = arith.select %select_n3A_72, %sub3A_71, %scan3A_69#4 : i32
      %eq3A_74 = arith.constant -1 : i32
      %eq3A_75 = arith.cmpi eq, %select_n3A_73, %eq3A_74 : i32
      %select_n3A_76 = arith.constant 47 : i32
      %select_n3A_77 = arith.select %eq3A_75, %select_n3A_76, %select_n3A_73 : i32
      %add3A_78 = arith.addi %select_n3A_77, %mul3A_6 : i32
      %sub3A_79 = arith.constant 1 : i32
      %sub3A_80 = arith.subi %select_n3A_77, %sub3A_79 : i32
      %select_n3A_81 = arith.constant true
      %select_n3A_82 = arith.select %select_n3A_81, %sub3A_80, %select_n3A_77 : i32
      %eq3A_83 = arith.constant -1 : i32
      %eq3A_84 = arith.cmpi eq, %select_n3A_82, %eq3A_83 : i32
      %select_n3A_85 = arith.constant 47 : i32
      %select_n3A_86 = arith.select %eq3A_84, %select_n3A_85, %select_n3A_82 : i32
      %add3A_87 = arith.addi %select_n3A_86, %mul3A_6 : i32
      %add3A_88 = arith.constant 1 : i32
      %add3A_89 = arith.addi %select_n3A_77, %add3A_88 : i32
      %select_n3A_90 = arith.constant true
      %select_n3A_91 = arith.select %select_n3A_90, %add3A_89, %select_n3A_77 : i32
      %eq3A_92 = arith.constant 48 : i32
      %eq3A_93 = arith.cmpi eq, %select_n3A_91, %eq3A_92 : i32
      %select_n3A_94 = arith.constant 0 : i32
      %select_n3A_95 = arith.select %eq3A_93, %select_n3A_94, %select_n3A_91 : i32
      %add3A_96 = arith.addi %select_n3A_95, %mul3A_6 : i32
      %add3A_97 = arith.constant 1 : i32
      %add3A_98 = arith.addi %select_n3A_95, %add3A_97 : i32
      %select_n3A_99 = arith.constant true
      %select_n3A_100 = arith.select %select_n3A_99, %add3A_98, %select_n3A_95 : i32
      %eq3A_101 = arith.constant 48 : i32
      %eq3A_102 = arith.cmpi eq, %select_n3A_100, %eq3A_101 : i32
      %select_n3A_103 = arith.constant 0 : i32
      %select_n3A_104 = arith.select %eq3A_102, %select_n3A_103, %select_n3A_100 : i32
      %add3A_105 = arith.addi %select_n3A_104, %mul3A_6 : i32
      "tpu.trace_start"() <{level = 10 : i32, message = "ep_finalize"}> : () -> ()
      %rem3A_106 = arith.constant 2 : i32
      %rem3A_107 = arith.remui %scan3A_69#3, %rem3A_106 : i32
      %mul3A_108 = arith.constant 1 : i32
      %mul3A_109 = arith.muli %mul3A_108, %add3A_78 : i32
      %dma_wait3A = arith.constant 0 : i32
      %dma_wait3A_110 = arith.constant 0 : i32
      %dma_wait3A_111 = arith.constant 0 : i32
      %dma_wait3A_112 = tpu.memref_slice %run_scoped3A_8[%rem3A_107, %dma_wait3A, %dma_wait3A_110, %dma_wait3A_111] : memref<2x1x16x1024xf32, #tpu.memory_space<vmem>> -> memref<1x1x16x1024xf32, #tpu.memory_space<vmem>>
      %dma_wait3A_113 = tpu.memref_squeeze %dma_wait3A_112 : memref<1x1x16x1024xf32, #tpu.memory_space<vmem>> -> memref<1x16x1024xf32, #tpu.memory_space<vmem>>
      %dma_wait3A_114 = arith.constant 0 : i32
      %dma_wait3A_115 = arith.constant 0 : i32
      %dma_wait3A_116 = tpu.memref_slice %arg3[%mul3A_109, %dma_wait3A_114, %dma_wait3A_115] : memref<1536x16x1024xf32, #tpu.memory_space<hbm>> -> memref<1x16x1024xf32, #tpu.memory_space<hbm>>
      %dma_wait3A_117 = tpu.memref_slice %run_scoped3A_9[%rem3A_107] : memref<2x!tpu.dma_semaphore, #tpu.memory_space<semaphore_mem>> -> memref<1x!tpu.dma_semaphore, #tpu.memory_space<semaphore_mem>>
      %dma_wait3A_118 = tpu.memref_squeeze %dma_wait3A_117 : memref<1x!tpu.dma_semaphore, #tpu.memory_space<semaphore_mem>> -> memref<!tpu.dma_semaphore, #tpu.memory_space<semaphore_mem>>
      %dma_wait3A_119 = arith.constant 0 : i32
      %dma_wait3A_120 = arith.constant 0 : i32
      %dma_wait3A_121 = tpu.memref_slice %arg3[%mul3A_109, %dma_wait3A_119, %dma_wait3A_120] : memref<1536x16x1024xf32, #tpu.memory_space<hbm>> -> memref<1x16x1024xf32, #tpu.memory_space<hbm>>
      %dma_wait3A_122 = arith.constant 0 : i32
      %dma_wait3A_123 = arith.constant 0 : i32
      %dma_wait3A_124 = arith.constant 0 : i32
      %dma_wait3A_125 = tpu.memref_slice %run_scoped3A_8[%rem3A_107, %dma_wait3A_122, %dma_wait3A_123, %dma_wait3A_124] : memref<2x1x16x1024xf32, #tpu.memory_space<vmem>> -> memref<1x1x16x1024xf32, #tpu.memory_space<vmem>>
      %dma_wait3A_126 = tpu.memref_squeeze %dma_wait3A_125 : memref<1x1x16x1024xf32, #tpu.memory_space<vmem>> -> memref<1x16x1024xf32, #tpu.memory_space<vmem>>
      tpu.wait_dma2 semaphore(%dma_wait3A_118 : memref<!tpu.dma_semaphore, #tpu.memory_space<semaphore_mem>>) src(%dma_wait3A_126 : memref<1x16x1024xf32, #tpu.memory_space<vmem>>) dst(%dma_wait3A_121 : memref<1x16x1024xf32, #tpu.memory_space<hbm>>)
      "tpu.trace_stop"() : () -> ()
      tpu.yield
    }) : () -> ()
    return
  }
}

module attributes {stable_mosaic.version = 14 : i64} {
  func.func @_onehot_tc_kernel(%arg0: i32, %arg1: memref<256x1024xf32, #tpu.memory_space<vmem>>, %arg2: memref<256x16x1024xf32, #tpu.memory_space<vmem>>) attributes {dimension_semantics = [#tpu.dimension_semantics<arbitrary>], iteration_bounds = array<i64: 10>, scalar_prefetch = 0 : i64, scratch_operands = 0 : i64, tpu.core_type = #tpu.core_type<tc>, window_params = [{transform_indices = @transform_0, window_bounds = array<i64: 256, 1024>}, {transform_indices = @transform_1, window_bounds = array<i64: 256, 16, 1024>}]} {
    %get3A = arith.constant 0 : index
    %get3A_0 = arith.constant 0 : index
    %get3A_1 = vector.load %arg1[%get3A, %get3A_0] : memref<256x1024xf32, #tpu.memory_space<vmem>>, vector<256x1024xf32>
    %jit3A = arith.constant 0.000000e+00 : f32
    %jit3A_2 = arith.constant 1.550000e+01 : f32
    %max3A = vector.broadcast %jit3A : f32 to vector<256x1024xf32>
    %max3A_3 = arith.maximumf %max3A, %get3A_1 : vector<256x1024xf32>
    %min3A = vector.broadcast %jit3A_2 : f32 to vector<256x1024xf32>
    %min3A_4 = arith.minimumf %min3A, %max3A_3 : vector<256x1024xf32>
    %floor3A = math.floor %min3A_4 : vector<256x1024xf32>
    %convert_element_type3A = arith.fptosi %floor3A : vector<256x1024xf32> to vector<256x1024xi32>
    %iota3A = tpu.iota {dimensions = array<i32: 1>} : vector<256x16x1024xi32>
    %broadcast_in_dim3A = vector.shape_cast %convert_element_type3A : vector<256x1024xi32> to vector<256x1x1024xi32>
    %eq3A = vector.broadcast %broadcast_in_dim3A : vector<256x1x1024xi32> to vector<256x16x1024xi32>
    %eq3A_5 = arith.cmpi eq, %eq3A, %iota3A : vector<256x16x1024xi32>
    %convert_element_type3A_6 = arith.extui %eq3A_5 : vector<256x16x1024xi1> to vector<256x16x1024xi32>
    %convert_element_type3A_7 = arith.sitofp %convert_element_type3A_6 : vector<256x16x1024xi32> to vector<256x16x1024xf32>
    %swap3A = arith.constant 0 : index
    %swap3A_8 = arith.constant 0 : index
    %swap3A_9 = arith.constant 0 : index
    %swap3A_10 = vector.load %arg2[%swap3A, %swap3A_8, %swap3A_9] : memref<256x16x1024xf32, #tpu.memory_space<vmem>>, vector<256x16x1024xf32>
    tpu.vector_store %arg2[%swap3A, %swap3A_8, %swap3A_9], %convert_element_type3A_7 {strides = array<i32>} : memref<256x16x1024xf32, #tpu.memory_space<vmem>>, vector<256x16x1024xf32>,
    return
  }
  func.func @transform_0(%arg0: i32) -> (i32, i32) {
    %c0_i32 = arith.constant 0 : i32
    %c0_i32_0 = arith.constant 0 : i32
    return %arg0, %c0_i32 : i32, i32
  }
  func.func @transform_1(%arg0: i32) -> (i32, i32, i32) {
    %c0_i32 = arith.constant 0 : i32
    %c0_i32_0 = arith.constant 0 : i32
    %c0_i32_1 = arith.constant 0 : i32
    return %arg0, %c0_i32, %c0_i32_0 : i32, i32, i32
  }
}

</mosaic_0001>

<sc_bundles>
// kernel: kernel.4.cloned.1.call-start
scs
__scs_entry_jumppad:
0x0: {  	(pc) =	sbr.rel $0x88, $3  }
0x1: {  	(tag) =	ssettag $0x0;
	lr =	simm.s32 $0x1  }
0x2: {  	[smem:$0x3FA0] =	sst lr;
	_ =	strace $0xD0000000  }
0x3: {  	_ = 	snop  }
0x4: {  	_ = 	snop  }
0x5: {  	_ = 	snop  }
0x6: {  	_ = 	snop  }
0x7: {  	_ = 	snop  }
__scs_overlays_trampoline_lowered:
0x8: {  	[smem:$0x3FAF] =	sst s0  }
0x9: {  	[smem:$0x3FB0] =	sst s1  }
0xa: {  	[smem:$0x3FB1] =	sst s2  }
0xb: {  	[smem:$0x3FB2] =	sst s3  }
0xc: {  	[smem:$0x3FB3] =	sst s4  }
0xd: {  	[smem:$0x3FB4] =	sst s5  }
0xe: {  	[smem:$0x3FB5] =	sst s6  }
0xf: {  	[smem:$0x3FB6] =	sst s7  }
0x10: {  	[smem:$0x3FB7] =	sst s8  }
0x11: {  	[smem:$0x3FB8] =	sst s9;
	s0 =	simm.s32 @!p0 $0x0  }
0x12: {  	s1 =	sld [smem:$0x3F9E];
	s0 =	simm.s32 @p0 $0x1  }
0x13: {  	[smem:$0x3FB9] =	sst s0;
	s0 =	simm.s32 @!p1 $0x0  }
0x14: {  	s2 =	sld [smem:$0x3F9D];
	s0 =	simm.s32 @p1 $0x1  }
0x15: {  	[smem:$0x3FBA] =	sst s0;
	s0 =	simm.s32 @!p2 $0x0  }
0x16: {  	s3 =	sld [smem:$0x3FDB];
	s0 =	simm.s32 @p2 $0x1  }
0x17: {  	s4 =	simm.s32 $0x1BF5;
	[smem:$0x3FBC] =	sst s0  }
0x18: {  	s0 =	sld [smem:$0x3F9F];
	_ =	swait.ge [sflag:s4], $0x0  }
0x19: {  	s7 =	sld [smem:$0x3FA0]  }
0x1a: {  	s8 =	sadd.s32 $0xFFFFE003, lr  }
0x1b: {  	s9 =	sadd.s32 $0xFFFFFEF7, lr;
	s5 =	simm.s32 $0xFFFFFFFF;
	p2 =	slt.u32 s8, $0xFFFFF086  }
0x1c: {  	p1 =	slt.u32 s9, $0xF7A;
	s5 =	simm.s32 @!p2 $0x0  }
0x1d: {  	s5 =	simm.s32 @p1 $0x1;
	p0 =	seq.s32 s7, s2  }
0x1e: {  	s7 =	smul.u32 @!p0 $0xF7A, s2;
	p2 =	seq.s32 @!p0 s5, $0x0  }
0x1f: {  	s9 =	smul.u32 $0xF7A, s1;
	s8 =	simm.s32 @!p0 $0x1BF5;
	p2 =	por !p2, p0  }
0x20: {  	[sflag:s8] =	ssyncset.s32 @!p0 $0xFFFFF086;
	s6 =	sadd.s32 @!p0 s3, s7;
	s7 =	simm.s32 @!p0 $0x108  }
0x21: {  	s3 =	sadd.s32 s3, s9;
	s6 =	sadd.s32 @!p0 $0x88, s6;
	s7 =	simm.s32 @p2 $0x1082  }
0x22: {  	[simem:s7], [sflag:s8] =	dma.local @!p0 [hbm:s6], $0xF7A  }
0x23: {  	s9 =	sor.u32 $0xD0000000, s2;
	s6 =	simm.s32 $0x108;
	_ =	swait.ge @!p0 [sflag:s8], $0x0  }
0x24: {  	s3 =	sadd.s32 $0x88, s3;
	s6 =	simm.s32 @!p1 $0x1082;
	[sflag:s4] =	ssyncset.s32 $0xFFFFF086  }
0x25: {  	[simem:s6], [sflag:s4] =	dma.local [hbm:s3], $0xF7A  }
0x26: {  	[smem:$0x3FA0] =	sst s1;
	(tag) =	ssettag s2;
	_ =	strace s9  }
0x27: {  	s1 =	sld [smem:$0x3FB0]  }
0x28: {  	s2 =	sld [smem:$0x3FB1]  }
0x29: {  	s4 =	sld [smem:$0x3FB3]  }
0x2a: {  	p0 =	seq.s32 s5, $0x0;
	s5 =	sld [smem:$0x3FB4]  }
0x2b: {  	s6 =	sld [smem:$0x3FB5]  }
0x2c: {  	s7 =	sld [smem:$0x3FB6]  }
0x2d: {  	s3 =	simm.s32 $0x108;
	s8 =	sld [smem:$0x3FB7]  }
0x2e: {  	s3 =	simm.s32 @!p0 $0x1082;
	s9 =	sld [smem:$0x3FB8]  }
0x2f: {  	lr =	sadd.s32 s0, s3;
	s0 =	sld [smem:$0x3FAF]  }
0x30: {  	s3 =	sld [smem:$0x3FB2]  }
0x31: {  	[smem:$0x3FBB] =	sst s10  }
0x32: {  	s10 =	sld [smem:$0x3FB9];
	_ =	sdelay $0x3  }
0x33: {  	p0 =	seq.s32 s10, $0x1;
	s10 =	sld [smem:$0x3FBB];
	_ =	sdelay $0x3  }
0x34: {  	[smem:$0x3FBB] =	sst s10  }
0x35: {  	s10 =	sld [smem:$0x3FBA];
	_ =	sdelay $0x3  }
0x36: {  	p1 =	seq.s32 s10, $0x1;
	s10 =	sld [smem:$0x3FBB];
	_ =	sdelay $0x3  }
0x37: {  	[smem:$0x3FBB] =	sst s10  }
0x38: {  	s10 =	sld [smem:$0x3FBC]  }
0x39: {  	_ = 	snop;
	(pc) =	sbr.ind lr, $3  }
0x3a: {  	_ = 	snop  }
0x3b: {  	_ = 	snop  }
0x3c: {  	p2 =	seq.s32 s10, $0x1;
	s10 =	sld [smem:$0x3FBB]  }
0x3d: {  	_ =	shalt  }
0x3e: {  	_ =	shalt  }
0x3f: {  	_ =	shalt  }
0x40: {  	_ =	shalt  }
0x41: {  	_ =	shalt  }
0x42: {  	_ =	shalt  }
0x43: {  	_ =	shalt  }
0x44: {  	_ =	shalt  }
0x45: {  	_ =	shalt  }
0x46: {  	_ =	shalt  }
0x47: {  	_ =	shalt  }
0x48: {  	_ =	shalt  }
0x49: {  	_ =	shalt  }
0x4a: {  	_ =	shalt  }
0x4b: {  	_ =	shalt  }
0x4c: {  	_ =	shalt  }
0x4d: {  	_ =	shalt  }
0x4e: {  	_ =	shalt  }
0x4f: {  	_ =	shalt  }
0x50: {  	_ =	shalt  }
0x51: {  	_ =	shalt  }
0x52: {  	_ =	shalt  }
0x53: {  	_ =	shalt  }
0x54: {  	_ =	shalt  }
0x55: {  	_ =	shalt  }
0x56: {  	_ =	shalt  }
0x57: {  	_ =	shalt  }
0x58: {  	_ =	shalt  }
0x59: {  	_ =	shalt  }
0x5a: {  	_ =	shalt  }
0x5b: {  	_ =	shalt  }
0x5c: {  	_ =	shalt  }
0x5d: {  	_ =	shalt  }
0x5e: {  	_ =	shalt  }
0x5f: {  	_ =	shalt  }
0x60: {  	_ =	shalt  }
0x61: {  	_ =	shalt  }
0x62: {  	_ =	shalt  }
0x63: {  	_ =	shalt  }
0x64: {  	_ =	shalt  }
0x65: {  	_ =	shalt  }
0x66: {  	_ =	shalt  }
0x67: {  	_ =	shalt  }
0x68: {  	_ =	shalt  }
0x69: {  	_ =	shalt  }
0x6a: {  	_ =	shalt  }
0x6b: {  	_ =	shalt  }
0x6c: {  	_ =	shalt  }
0x6d: {  	_ =	shalt  }
0x6e: {  	_ =	shalt  }
0x6f: {  	_ =	shalt  }
0x70: {  	_ =	shalt  }
0x71: {  	_ =	shalt  }
0x72: {  	_ =	shalt  }
0x73: {  	_ =	shalt  }
0x74: {  	_ =	shalt  }
0x75: {  	_ =	shalt  }
0x76: {  	_ =	shalt  }
0x77: {  	_ =	shalt  }
0x78: {  	_ =	shalt  }
0x79: {  	_ =	shalt  }
0x7a: {  	_ =	shalt  }
0x7b: {  	_ =	shalt  }
0x7c: {  	_ =	shalt  }
0x7d: {  	_ =	shalt  }
0x7e: {  	_ =	shalt  }
0x7f: {  	_ =	shalt  }
0x80: {  	_ =	shalt  }
0x81: {  	_ =	shalt  }
0x82: {  	_ =	shalt  }
0x83: {  	_ =	shalt  }
0x84: {  	_ =	shalt  }
0x85: {  	_ =	shalt  }
0x86: {  	_ =	shalt  }
0x87: {  	_ =	shalt  }
.Lfunc_end0:
.L_simem_size_0:
called_computation_lowered:
.L_overlay_start_0:
0x88: {  	s2 =	sld [smem:$0x3FD9]  }
0x89: {  	s3 =	sld [smem:$0x3FFE];
	_ =	sdelay $0x1  }
0x8a: {  	s1 =	srdreg.scid  }
0x8b: {  	s0 =	sand.u32 $0x1, s1  }
0x8c: {  	s17 =	sshll.u32 s0, $0xA;
	s2 =	sadd.s32 s3, s2  }
0x8d: {  	s2 =	sadd.s32 s2, s17  }
0x8e: {  	[smem:$0x3FC7] =	sst s2  }
0x8f: {  	_ = 	snop  }
0x90: {  	s2 =	sld [smem:$0x3FC9];
	(tm) =	ssettm $0x1  }
0x91: {  	s18 =	sld [smem:$0x3FFB];
	_ =	sdelay $0x3  }
0x92: {  	_ =	strace s18  }
0x93: {  	s3 =	sld [smem:$0x3FFC];
	_ =	sdelay $0x3  }
0x94: {  	_ =	strace s3  }
0x95: {  	s3 =	sld [smem:$0x3FFD];
	_ =	sdelay $0x3  }
0x96: {  	_ =	strace s3  }
0x97: {  	_ =	strace $0x8FFFFFFF  }
0x98: {  	s19 =	sld [smem:$0x3FDB];
	_ =	sdelay $0x1  }
0x99: {  	s4 =	simm.s32 $_scs_section_size  }
0x9a: {  	s5 =	simm.s32 $_size__tile_overlayer_lowered;
	s6 =	simm.s32 $_tile_overlayer_lowered  }
0x9b: {  	s22 =	simm.s32 $0x1BFF;
	s21 =	sshll.u32 s6, $0x1;
	s3 =	sadd.s32 s4, s19  }
0x9c: {  	s7 =	simm.s32 $0x0;
	s20 =	sshll.u32 s5, $0x1;
	s5 =	sadd.s32 s21, s3  }
0x9d: {  	[timem:s7], [sflag:s22] =	dma.local [hbm:s5], s20  }
0x9e: {  	_ =	swait.ge [sflag:s22], s20  }
0x9f: {  	s4 =	ssub.s32 $0x0, s20;
	[sflag:s22] =	ssyncset.done $0x0  }
0xa0: {  	[sflag:s22] =	ssyncadd.s32 s4;
	_ =	sdelay $0x1  }
0xa1: {  	s23 =	simm.s32 $0x1B8B  }
0xa2: {  	_ =	swait.ge [sflag:s23], $0x1  }
0xa3: {  	[sflag:s23] =	ssyncset.done $0x0  }
0xa4: {  	s25 =	simm.s32 $0x1B8E;
	s24 =	sld [smem:$0x3FFE];
	[sflag:s23] =	ssyncadd.s32 $0xFFFFFFFF  }
0xa5: {  	s26 =	simm.s32 $execute0_lowered;
	[smem:$0x3FD2] =	sst s25  }
0xa6: {  	s5 =	sshll.u32 s26, $0x1;
	_ =	strace $0x80000046;
	[dreg:$0x1] =	wrdreg $0xFFFFFFFF  }
0xa7: {  	s28 =	simm.s32 $_size_execute0_lowered;
	s3 =	sadd.s32 s3, s5;
	[dreg:$0x0] =	wrdreg $0x0  }
0xa8: {  	s5 =	sshll.u32 s28, $0x1;
	[dreg:$0x2] =	wrdreg s3  }
0xa9: {  	[dreg:$0x3] =	wrdreg s5  }
0xaa: {  	[dreg:$0x4] =	wrdreg $0xC0  }
0xab: {  	_ =	task [dreg:s7], $0x5FFFF  }
0xac: {  	[dreg:$0x1] =	wrdreg $0xFFFFFFFF  }
0xad: {  	[dreg:$0x0] =	wrdreg $0x60  }
0xae: {  	[dreg:$0x2] =	wrdreg s2  }
0xaf: {  	[dreg:$0x3] =	wrdreg s24  }
0xb0: {  	[dreg:$0x4] =	wrdreg $0x9  }
0xb1: {  	_ =	task.clear_ibuf [dreg:s7], $0x5FFFF;
	_ =	strace $0x90000046  }
0xb2: {  	s29 =	simm.s32 $0x9;
	_ =	strace $0x8000004F  }
0xb3: {  	_ =	swait.ge [sflag:s29], $0x1  }
0xb4: {  	[sflag:s29] =	ssyncadd.s32 $0xFFFFFFFF  }
0xb5: {  	_ =	strace $0x9000004F  }
0xb6: {  	_ =	sfence  }
0xb7: {  	s30 =	sld [smem:$0x0];
	_ =	sdelay $0x2  }
0xb8: {  	s31 =	sshll.u32 s1, $0xD;
	s1 =	sshrl.u32 s1, $0x2  }
0xb9: {  	s3 =	sand.u32 $0x4000, s31;
	s1 =	sadd.s32 s1, s30  }
0xba: {  	s0 =	sor.u32 s3, s0;
	s1 =	sshll.u32 s1, $0x11  }
0xbb: {  	s0 =	sor.u32 s1, s0  }
0xbc: {  	s0 =	sadd.s32 $0x8F2B, s0  }
0xbd: {  	[sflag:s0] =	ssyncadd.remote.s32 $0x1  }
0xbe: {  	_ =	sfence.sel $0xFFFF  }
0xbf: {  	[dreg:$0x0] =	wrdreg $0xFFFFFFFF;
	(pc) =	sbr.abs _section_cstart, $3  }
0xc0: {  	[dreg:$0x1] =	wrdreg $0xFFFFFFFF  }
0xc1: {  	_ =	task.clear_ibuf [dreg:s7], $0x2FFFF;
	_ =	strace $0x9FFFFFFF  }
0xc2: {  	(tm) =	ssettm $0x7FFFFFFF  }
0xc3: {  	_ =	shalt  }
tec
execute0_lowered:
.L_overlay_start_1:
0x0: {  	(tag) =	ssettag $0x1  }
0x1: {  	s0 =	srdreg.scid;
	s2 =	rddreg [dreg:$0x0]  }
0x2: {  	s5 =	rddreg [dreg:$0x1];
	s4 =	sand.u32 $0x1, s0  }
0x3: {  	s1 =	stileid.u32;
	s3 =	simm.s32 $0x0;
	s6 =	sshll.u32 s4, $0x4  }
0x4: {  	s9 =	simm.s32 $0x400;
	s10 =	simm.s32 $0x4;
	s6 =	sor.u32 s1, s6  }
0x5: {  	s11 =	simm.s32 $0x0;
	[smem:$0x7FF] =	sst s3;
	s7 =	smul.u32 $0xC000, s6  }
0x6: {  	s0 =	rddreg [dreg:$0x2];
	_ =	strace $0x80000047;
	s8 =	ssub.s32 $0x2, s4  }
0x7: {  	s4 =	sadd.s32 $0x600, s5;
	s30 =	sshrl.u32 s8, $0x1;
	s7 =	sshrl.u32 s7, $0x3  }
0x8: {  	s8 =	ssub.s32 s8, s30;
	s5 =	smul.u32 $0x30, s6;
	s31 =	sadd.s32 s2, s7  }
0x9: {  	v0 =	vimm.s32 $0x0;
	s7 =	smax.u32 s8, $0x1;
	s8 =	simm.s32 $0x80;
	s6 =	sadd.s32 $0x50000, s31  }
.LBB2_1:
0xa: {  	_ =	strace $0x80000048;
	s12 =	simm.s32 $0x0  }
0xb: {  	s13 =	simm.s32 $0x0;
	s14 =	simm.s32 $0x0;
	s15 =	simm.s32 $0x0  }
0xc: {  	[tilespmem:s3], [sflag:$0x1] =	stream.strided.gather [hbm4b:s6+s8], $0x400, s9, s8, $0x200038;
	[tilespmem:$0x8800] =	vst v63  }
0xd: {  	s16 =	simm.s32 $0x1;
	s17 =	simm.s32 $0x0;
	_ =	strace $0x90000048  }
.LBB2_2:
0xe: {  	s20 =	smov.u32 s12;
	s12 =	sadd.s32 $0x1, s12  }
0xf: {  	p0 =	seq.s32 s12, $0x30  }
0x10: {  	s12 =	simm.s32 @p0 $0x0  }
0x11: {  	p6 =	sne.s32 s17, $0x2F;
	p1 =	sne.s32 s20, s12  }
0x12: {  	p0 =	por !p6, !p1  }
0x13: {  	p0 =	por !p0, !p0  }
0x14: {  	s18 =	sadd.s32 @p0 s5, s12  }
0x15: {  	s19 =	sshll.u32 @p0 s12, $0x7;
	s18 =	sshll.u32 @p0 s18, $0xA  }
0x16: {  	s19 =	sand.u32 @p0 $0x380, s19;
	s18 =	sand.u32 @p0 $0xFFFFE000, s18  }
0x17: {  	s18 =	sor.u32 @p0 s19, s18  }
0x18: {  	_ =	strace @p0 $0x80000049;
	s22 =	simm.s32 @p0 $0x80;
	s18 =	sadd.s32 @p0 $0x280000, s18  }
0x19: {  	s23 =	simm.s32 @p0 $0x400;
	s19 =	sand.u32 @p0 $0x1, s16;
	s18 =	sshrl.u32 @p0 s18, $0x3  }
0x1a: {  	s21 =	sshll.u32 @p0 s19, $0xA;
	s19 =	sadd.s32 @p0 $0x1, s19;
	s18 =	sadd.s32 @p0 s2, s18  }
0x1b: {  	[tilespmem:s21], [sflag:s19] =	stream.strided.gather @p0 [hbm4b:s18+s22], $0x400, s23, s22, $0x200038;
	[tilespmem:$0x8800] =	vst v63  }
0x1c: {  	s28 =	sand.u32 $0x1, s15;
	_ =	strace @p0 $0x90000049  }
0x1d: {  	s18 =	sadd.s32 $0x1, s28;
	_ =	strace $0x8000004A  }
0x1e: {  	_ =	swait.ge [sflag:s18], $0x400  }
0x1f: {  	[sflag:s18] =	ssyncset.done $0x0  }
0x20: {  	[sflag:s18] =	ssyncadd.s32 $0xFFFFFC00  }
0x21: {  	s29 =	sshll.u32 s15, $0xA;
	_ =	strace $0x9000004A  }
0x22: {  	s21 =	sand.u32 $0x400, s29;
	_ =	strace $0x8000004B  }
0x23: {  	v1 =	vld [tilespmem:s21+$0x0];
	_ =	sdelay $0x4  }
0x24: {  	v1 =	vmax.f32 v1, $0.0e+00  }
0x25: {  	s18 =	sand.u32 $0x1, s14;
	v1 =	vmin.f32 v1, $1.550000000e+01  }
0x26: {  	s30 =	sshll.u32 s18, $0xE;
	v1 =	vtrunc.f32 v1  }
0x27: {  	s23 =	simm.s32 $0x0;
	s19 =	sor.u32 $0x800, s30;
	v2 =	vcvt.f32.s32 v1  }
0x28: {  	s31 =	sand.u32 $0x1C00, s23;
	v1 =	vmov s19  }
0x29: {  	s24 =	sand.u32 $0x70, s23;
	s22 =	sadd.s32 s31, s19;
	vm0 =	veq.s32 v2, $0x0;
	vm1 =	veq.s32 v2, $0x1;
	vm2 =	veq.s32 v2, $0x6  }
0x2a: {  	s22 =	sadd.s32 s24, s22;
	v3 =	vsel vm0, $0x3F800000, v0;
	v5 =	vsel vm1, $0x3F800000, v0;
	vm0 =	veq.s32 v2, $0x3  }
0x2b: {  	vm1 =	veq.s32 v2, $0x2;
	[tilespmem:s22+$0x0] =	vst v3;
	v4 =	vsel vm0, $0x3F800000, v0;
	v3 =	vsel vm2, $0x3F800000, v0  }
0x2c: {  	s25 =	simm.s32 $0x10;
	s20 =	sadd.s32 s5, s20;
	s24 =	sor.u32 s23, s23;
	[tilespmem:s22+$0x80] =	vst v5;
	v5 =	vsel vm1, $0x3F800000, v0;
	vm0 =	veq.s32 v2, $0x4;
	vm1 =	veq.s32 v2, $0x5  }
.LBB2_3:
0x2d: {  	p2 =	sne.s32 s25, $0x3F0;
	[tilespmem:s22+$0x180] =	vst v4;
	v4 =	vsel vm0, $0x3F800000, v0;
	v6 =	vsel vm1, $0x3F800000, v0;
	vm0 =	veq.s32 v2, $0x7;
	s23 =	sadd.s32 $0x80, s23;
	s21 =	sadd.s32 $0x10, s21  }
0x2e: {  	vm1 =	veq.s32 v2, $0x8;
	vm2 =	veq.s32 v2, $0xA;
	vm3 =	veq.s32 v2, $0xF;
	s28 =	smov.u32 s25;
	s26 =	sor.u32 s23, s25;
	[tilespmem:s22+$0x100] =	vst v5;
	s25 =	sadd.s32 $0x10, s25  }
0x2f: {  	vm4 =	veq.s32 v2, $0x9;
	vm5 =	veq.s32 v2, $0xC;
	vm6 =	veq.s32 v2, $0xE;
	[tilespmem:s22+$0x300] =	vst v3  }
0x30: {  	vm7 =	veq.s32 v2, $0xB;
	vm8 =	veq.s32 v2, $0xD;
	[tilespmem:s22+$0x280] =	vst v6  }
0x31: {  	s29 =	sor.u32 $0x380, s24;
	v2 =	vsel vm0, $0x3F800000, v0;
	s24 =	smov.u32 s26;
	[tilespmem:s22+$0x200] =	vst v4  }
0x32: {  	[tilespmem:v1+s29+$0x0 ss:$0x1] =	vst.idx.msk $0xffff, v2;
	v2 =	vsel vm1, $0x3F800000, v0  }
0x33: {  	[tilespmem:s22+$0x2000] =	vst v2;
	v2 =	vsel vm3, $0x3F800000, v0  }
0x34: {  	v3 =	vsel vm2, $0x3F800000, v0;
	[tilespmem:s22+$0x2380] =	vst v2  }
0x35: {  	v2 =	vsel vm6, $0x3F800000, v0;
	[tilespmem:s22+$0x2100] =	vst v3  }
0x36: {  	v3 =	vsel vm4, $0x3F800000, v0;
	[tilespmem:s22+$0x2300] =	vst v2  }
0x37: {  	v2 =	vsel vm5, $0x3F800000, v0;
	[tilespmem:s22+$0x2080] =	vst v3;
	v3 =	vsel vm8, $0x3F800000, v0  }
0x38: {  	v4 =	vsel vm7, $0x3F800000, v0;
	[tilespmem:s22+$0x2200] =	vst v2  }
0x39: {  	[tilespmem:s22+$0x2280] =	vst v3  }
0x3a: {  	[tilespmem:s22+$0x2180] =	vst v4  }
0x3b: {  	v2 =	vld [tilespmem:s21+$0x0];
	_ =	sdelay $0x4  }
0x3c: {  	v2 =	vmax.f32 v2, $0.0e+00  }
0x3d: {  	v2 =	vmin.f32 v2, $1.550000000e+01  }
0x3e: {  	v2 =	vtrunc.f32 v2  }
0x3f: {  	v2 =	vcvt.f32.s32 v2  }
.Ltmp0:
0x40: {  	s22 =	sand.u32 $0x1C00, s23;
	(pc) =	sbr.rel @p2 .LBB2_3-.Ltmp0, $4  }
0x41: {  	s26 =	sand.u32 $0x70, s28;
	s22 =	sadd.s32 s22, s19;
	vm0 =	veq.s32 v2, $0x0;
	vm1 =	veq.s32 v2, $0x1;
	vm2 =	veq.s32 v2, $0x6  }
0x42: {  	s22 =	sadd.s32 s26, s22;
	v3 =	vsel vm0, $0x3F800000, v0;
	v5 =	vsel vm1, $0x3F800000, v0;
	vm0 =	veq.s32 v2, $0x3  }
0x43: {  	vm1 =	veq.s32 v2, $0x2;
	[tilespmem:s22+$0x0] =	vst v3;
	v4 =	vsel vm0, $0x3F800000, v0;
	v3 =	vsel vm2, $0x3F800000, v0  }
0x44: {  	vm0 =	veq.s32 v2, $0x4;
	[tilespmem:s22+$0x80] =	vst v5;
	v5 =	vsel vm1, $0x3F800000, v0;
	vm1 =	veq.s32 v2, $0x5  }
0x45: {  	[tilespmem:s22+$0x180] =	vst v4  }
0x46: {  	[tilespmem:s22+$0x100] =	vst v5  }
0x47: {  	v63 =	vsel vm1, $0x3F800000, v0;
	[tilespmem:s22+$0x300] =	vst v3  }
0x48: {  	v3 =	vsel vm0, $0x3F800000, v0;
	vm7 =	veq.s32 v2, $0x7;
	[tilespmem:s22+$0x280] =	vst v63  }
0x49: {  	vm8 =	veq.s32 v2, $0x8;
	s21 =	sor.u32 $0x380, s24;
	vm9 =	veq.s32 v2, $0xF;
	[tilespmem:s22+$0x200] =	vst v3;
	v3 =	vsel vm7, $0x3F800000, v0  }
0x4a: {  	vm10 =	veq.s32 v2, $0xA;
	vm11 =	veq.s32 v2, $0xE;
	[tilespmem:v1+s21+$0x0 ss:$0x1] =	vst.idx.msk $0xffff, v3;
	v1 =	vsel vm8, $0x3F800000, v0  }
0x4b: {  	vm12 =	veq.s32 v2, $0x9;
	vm14 =	veq.s32 v2, $0xD;
	v3 =	vsel vm10, $0x3F800000, v0;
	[tilespmem:s22+$0x2000] =	vst v1  }
0x4c: {  	vm13 =	veq.s32 v2, $0xC;
	vm15 =	veq.s32 v2, $0xB;
	v2 =	vsel vm14, $0x3F800000, v0;
	[tilespmem:s22+$0x2100] =	vst v3  }
0x4d: {  	v1 =	vsel vm9, $0x3F800000, v0;
	[tilespmem:s22+$0x2280] =	vst v2  }
0x4e: {  	v3 =	vsel vm12, $0x3F800000, v0;
	[tilespmem:s22+$0x2380] =	vst v1  }
0x4f: {  	v1 =	vsel vm11, $0x3F800000, v0;
	[tilespmem:s22+$0x2080] =	vst v3  }
0x50: {  	p2 =	seq.s32 s17, $0x2F;
	[tilespmem:s22+$0x2300] =	vst v1;
	v1 =	vsel vm13, $0x3F800000, v0  }
0x51: {  	p1 =	por p2, p1;
	s21 =	simm.s32 $0x1;
	[tilespmem:s22+$0x2200] =	vst v1;
	v1 =	vsel vm15, $0x3F800000, v0  }
0x52: {  	s20 =	sshll.u32 @p1 s20, $0xB;
	s18 =	sadd.s32 @p1 $0x3, s18;
	s21 =	simm.s32 @!p0 $0x0;
	[tilespmem:s22+$0x2180] =	vst v1  }
0x53: {  	s20 =	sand.u32 @p1 $0x1FFFF800, s20;
	p0 =	seq.s32 s17, $0x0;
	_ =	strace $0x9000004B  }
0x54: {  	s20 =	sadd.s32 @p1 s4, s20;
	s22 =	simm.s32 @p1 $0x0;
	_ =	strace @p1 $0x8000004C  }
0x55: {  	[hbm4b:s20+s22] =	stream.linear.scatter @p1 [tilespmem:s19], [sflag:s18], $0x4000, $0x200038;
	[tilespmem:$0x8800] =	vst v63  }
0x56: {  	s18 =	simm.s32 $0x1;
	s20 =	simm.s32 $0x1;
	_ =	strace @p1 $0x9000004C  }
0x57: {  	s18 =	simm.s32 @!p1 $0x0;
	p1 =	sne.s32 s17, $0x0;
	s17 =	sadd.s32 $0x1, s17  }
0x58: {  	s19 =	sand.u32 @!p0 $0x1, s13;
	s20 =	simm.s32 @!p1 $0x0;
	p1 =	sne.s32 s17, $0x30  }
.Ltmp1:
0x59: {  	s19 =	sadd.s32 @!p0 $0x3, s19;
	_ =	strace @!p0 $0x8000004D;
	(pc) =	sbr.rel @p1 .LBB2_2-.Ltmp1, $4  }
0x5a: {  	_ =	swait.ge @!p0 [sflag:s19], $0x4000  }
0x5b: {  	[sflag:s19] =	ssyncset.done @!p0 $0x0  }
0x5c: {  	s16 =	sadd.s32 s21, s16;
	s14 =	sadd.s32 s18, s14;
	[sflag:s19] =	ssyncadd.s32 @!p0 $0xFFFFC000  }
0x5d: {  	s15 =	sadd.s32 s18, s15;
	s13 =	sadd.s32 s20, s13;
	_ =	strace @!p0 $0x9000004D  }
0x5e: {  	s11 =	sadd.s32 $0x1, s11  }
0x5f: {  	p0 =	sne.s32 s11, s7  }
.Ltmp2:
0x60: {  	_ =	strace $0x8000004E;
	(pc) =	sbr.rel @p0 .LBB2_1-.Ltmp2, $4  }
0x61: {  	_ =	swait.ge [sflag:s10], $0x4000  }
0x62: {  	[sflag:s10] =	ssyncset.done $0x0  }
0x63: {  	[sflag:s10] =	ssyncadd.s32 $0xFFFFC000  }
0x64: {  	_ =	strace $0x9000004E  }
0x65: {  	_ =	sfence.sel $0x180000  }
0x66: {  	[bflag:$0x0] =	sbarrier.arrive $0xFFFF  }
0x67: {  	p0 =	sne.s32 s1, $0x0;
	_ =	strace $0x90000047  }
0x68: {  	s0 =	sadd.s32 @!p0 $0x100000, s0;
	[bflag:$0x2] =	sbarrier.arrive $0xFFFF  }
0x69: {  	[sflag:s0] =	ssyncadd.tile.s32 @!p0 $0x1;
	_ =	shalt  }
.Lfunc_end2:
_tile_overlayer_lowered:
.L_overlay_start_2:
0x6a: {  	(tag) =	ssettag $0x2  }
0x6b: {  	s0 =	rddreg [dreg:$0x0];
	s2 =	stileid.u32  }
0x6c: {  	s1 =	rddreg [dreg:$0x1];
	p0 =	sne.s32 s2, $0x0  }
0x6d: {  	s3 =	rddreg [dreg:$0x2];
	[bflag:$0x3] =	sbarrier.arrive $0xFFFF;
	s2 =	simm.s32 @!p0 $0x1C01  }
0x6e: {  	[timem:s3], [sflag:s2] =	dma.local @!p0 [hbm:s0], s1  }
0x6f: {  	s0 =	simm.s32 @!p0 $0x1  }
0x70: {  	_ =	swait.ge @!p0 [sflag:s0], s1  }
0x71: {  	s1 =	ssub.s32 @!p0 $0x0, s1;
	[sflag:s0] =	ssyncset.done @!p0 $0x0  }
0x72: {  	[sflag:s0] =	ssyncadd.s32 @!p0 s1  }
0x73: {  	[bflag:$0x3] =	sbarrier.arrive $0xFFFF  }
0x74: {  	_ =	shalt  }

</sc_bundles>
